<compile_context>
chip_gen: v7x
topology: tpu7x:2x2x1
jax: 0.10.2.dev20260603
libtpu: 0.0.44.dev20260713+nightly
codegen_flags: <defaults>
</compile_context>

<pallas_src>
import functools

import jax
import jax.numpy as jnp
from jax import lax
from jax.experimental import pallas as pl
from jax.experimental.pallas import tpu as pltpu
from jax.experimental.pallas import tpu_sc as plsc

B, N, D = 1, 2048, 1024
H = 16
HD = D // H
E = 8
K = 2
FF = 512
EPS = 1e-5

TILE = 256
NT = 24
RPAD = NT * TILE
A = K * N
NC, NS = 2, 16
NW = NC * NS
APW = A // NW
CHUNK = 64


def _qkv_body(x_ref, w_ref, o_ref):
    o_ref[...] = jnp.dot(x_ref[...], w_ref[...], preferred_element_type=jnp.float32)


def _qkv(x, wqkv):
    CB = 512
    return pl.pallas_call(
        _qkv_body,
        grid=(3 * D // CB,),
        in_specs=[
            pl.BlockSpec((N, D), lambda c: (0, 0)),
            pl.BlockSpec((D, CB), lambda c: (0, c)),
        ],
        out_specs=pl.BlockSpec((N, CB), lambda c: (0, c)),
        out_shape=jax.ShapeDtypeStruct((N, 3 * D), jnp.float32),
    )(x, wqkv)


def _attn_body(q_ref, k_ref, v_ref, o_ref):
    for sub in range(2):
        q = q_ref[:, sub * HD:(sub + 1) * HD]
        k = k_ref[:, sub * HD:(sub + 1) * HD]
        v = v_ref[:, sub * HD:(sub + 1) * HD]
        s = lax.dot_general(
            q, k, (((1,), (1,)), ((), ())),
            preferred_element_type=jnp.float32,
        ) * (1.0 / (HD ** 0.5))
        p = jnp.exp(s)
        r = 1.0 / jnp.sum(p, axis=1, keepdims=True)
        o_ref[:, sub * HD:(sub + 1) * HD] = jnp.dot(
            p, v, preferred_element_type=jnp.float32) * r


def _attn(qkv):
    RB = 512
    HP = H // 2
    return pl.pallas_call(
        _attn_body,
        grid=(HP, N // RB),
        in_specs=[
            pl.BlockSpec((RB, 2 * HD), lambda h, r: (r, h)),
            pl.BlockSpec((N, 2 * HD), lambda h, r: (0, HP + h)),
            pl.BlockSpec((N, 2 * HD), lambda h, r: (0, 2 * HP + h)),
        ],
        out_specs=pl.BlockSpec((RB, 2 * HD), lambda h, r: (r, h)),
        out_shape=jax.ShapeDtypeStruct((N, D), jnp.float32),
    )(qkv, qkv, qkv)


def _proj_body(o_ref, wo_ref, x_ref, t_ref):
    t_ref[...] = jnp.dot(o_ref[...], wo_ref[...],
                         preferred_element_type=jnp.float32) + x_ref[...]


def _proj(o, wo, x):
    RB = 256
    return pl.pallas_call(
        _proj_body,
        grid=(N // RB,),
        in_specs=[
            pl.BlockSpec((RB, D), lambda r: (r, 0)),
            pl.BlockSpec((D, D), lambda r: (0, 0)),
            pl.BlockSpec((RB, D), lambda r: (r, 0)),
        ],
        out_specs=pl.BlockSpec((RB, D), lambda r: (r, 0)),
        out_shape=jax.ShapeDtypeStruct((N, D), jnp.float32),
    )(o, wo, x)


def _gate_body(t_ref, wg_ref, gn_ref, bn_ref, h_ref, gates_ref, pos_ref, te_ref):
    t = t_ref[...]
    mm = jnp.mean(t, axis=0, keepdims=True)
    vv = jnp.mean((t - mm) ** 2, axis=0, keepdims=True)
    hn = (t - mm) * lax.rsqrt(vv + EPS) * gn_ref[...] + bn_ref[...]
    h_ref[...] = hn
    logits = jnp.dot(hn, wg_ref[...], preferred_element_type=jnp.float32)
    logits = logits[:, :E]
    ii = lax.broadcasted_iota(jnp.int32, (N, E), 1)
    m1 = jnp.max(logits, axis=1, keepdims=True)
    i1 = jnp.min(jnp.where(logits == m1, ii, E), axis=1, keepdims=True)
    mask1 = ii == i1
    l2 = jnp.where(mask1, -jnp.inf, logits)
    m2 = jnp.max(l2, axis=1, keepdims=True)
    i2 = jnp.min(jnp.where(l2 == m2, ii, E), axis=1, keepdims=True)
    mask2 = ii == i2
    e2 = jnp.exp(m2 - m1)
    g1 = 1.0 / (1.0 + e2)
    g2 = e2 * g1

    m1f = mask1.astype(jnp.float32)
    m2f = mask2.astype(jnp.float32)
    lane = lax.broadcasted_iota(jnp.int32, (N, 128), 1)
    maskcat = jnp.pad(m1f, ((0, 0), (0, 120))) + jnp.where(
        (lane >= E) & (lane < 2 * E),
        jnp.pad(m2f, ((0, 0), (E, 112))), 0.0)
    CH = 128
    ri = lax.broadcasted_iota(jnp.int32, (CH, CH), 0)
    rj = lax.broadcasted_iota(jnp.int32, (CH, CH), 1)
    tril = (rj < ri).astype(jnp.float32)
    excl_rows = []
    carry = jnp.zeros((1, 128), jnp.float32)
    for c in range(N // CH):
        mc = maskcat[c * CH:(c + 1) * CH]
        excl_rows.append(
            jnp.dot(tril, mc, preferred_element_type=jnp.float32) + carry)
        carry = carry + jnp.sum(mc, axis=0, keepdims=True)
    excl = jnp.concatenate(excl_rows, axis=0)

    lane_r = lax.broadcasted_iota(jnp.int32, (1, 128), 1)
    pvec = jnp.zeros((1, 128), jnp.float32)
    tev = jnp.full((1, 128), -1, jnp.int32)
    tcol = (lane_r * TILE).astype(jnp.float32)
    poff = jnp.float32(0.0)
    for e in range(E):
        c1 = carry[0, e]
        c2 = carry[0, E + e]
        cnt = c1 + c2
        pvec = pvec + jnp.where(lane_r == e, poff, 0.0) \
                    + jnp.where(lane_r == E + e, poff + c1, 0.0)
        tev = tev + jnp.where(tcol >= poff, 1, 0)
        pcnt = jnp.ceil(cnt / TILE) * TILE
        poff = poff + pcnt

    posfull = maskcat * (pvec + excl)
    pos0 = jnp.sum(posfull[:, 0:E], axis=1, keepdims=True)
    pos1 = jnp.sum(posfull[:, E:2 * E], axis=1, keepdims=True)

    lane0 = lane == 0
    lane1 = lane == 1
    gates_ref[...] = jnp.where(lane0, g1, 0.0) + jnp.where(lane1, g2, 0.0)
    pos_ref[...] = (jnp.where(lane0, pos0, 0.0)
                    + jnp.where(lane1, pos1, 0.0)).astype(jnp.int32)
    te_ref[...] = tev


def _gating(t, wg_pad, gn, bn):
    return pl.pallas_call(
        _gate_body,
        grid=(1,),
        in_specs=[
            pl.BlockSpec((N, D), lambda i: (0, 0)),
            pl.BlockSpec((D, 128), lambda i: (0, 0)),
            pl.BlockSpec((1, D), lambda i: (0, 0)),
            pl.BlockSpec((1, D), lambda i: (0, 0)),
        ],
        out_specs=[
            pl.BlockSpec((N, D), lambda i: (0, 0)),
            pl.BlockSpec((N, 128), lambda i: (0, 0)),
            pl.BlockSpec((N, 128), lambda i: (0, 0)),
            pl.BlockSpec((1, 128), lambda i: (0, 0)),
        ],
        out_shape=[
            jax.ShapeDtypeStruct((N, D), jnp.float32),
            jax.ShapeDtypeStruct((N, 128), jnp.float32),
            jax.ShapeDtypeStruct((N, 128), jnp.int32),
            jax.ShapeDtypeStruct((1, 128), jnp.int32),
        ],
    )(t, wg_pad, gn, bn)


def _sc_mesh():
    return plsc.VectorSubcoreMesh(
        core_axis_name="c", subcore_axis_name="s",
        num_cores=NC, num_subcores=NS)


@functools.lru_cache(maxsize=None)
def _make_sc_kernels():
    scratch = [
        pltpu.VMEM((CHUNK,), jnp.int32),
        pltpu.VMEM((CHUNK, D), jnp.float32),
        pltpu.SemaphoreType.DMA,
    ]

    @functools.partial(
        pl.kernel,
        out_type=jax.ShapeDtypeStruct((RPAD, D), jnp.float32),
        mesh=_sc_mesh(),
        scratch_types=scratch,
    )
    def sc_dispatch(h_hbm, pos_hbm, disp_hbm, idx_v, buf_v, sem):
        wid = lax.axis_index("s") * NC + lax.axis_index("c")
        for c in range(APW // CHUNK):
            a0 = wid * APW + c * CHUNK
            t0 = a0 % N
            pltpu.sync_copy(pos_hbm.at[wid * (APW // CHUNK) + c], idx_v)
            pltpu.sync_copy(h_hbm.at[pl.ds(t0, CHUNK)], buf_v)
            pltpu.async_copy(buf_v, disp_hbm.at[idx_v], sem).wait()

    @functools.partial(
        pl.kernel,
        out_type=jax.ShapeDtypeStruct((A, D), jnp.float32),
        mesh=_sc_mesh(),
        scratch_types=scratch,
    )
    def sc_combine(dout_hbm, pos_hbm, yab_hbm, idx_v, buf_v, sem):
        wid = lax.axis_index("s") * NC + lax.axis_index("c")
        for c in range(APW // CHUNK):
            a0 = wid * APW + c * CHUNK
            pltpu.sync_copy(pos_hbm.at[wid * (APW // CHUNK) + c], idx_v)
            pltpu.async_copy(dout_hbm.at[idx_v], buf_v, sem).wait()
            pltpu.sync_copy(buf_v, yab_hbm.at[pl.ds(a0, CHUNK)])

    return sc_dispatch, sc_combine


def _sc_dispatch(h, pos):
    return _make_sc_kernels()[0](h, pos)


def _sc_combine(dout, pos):
    return _make_sc_kernels()[1](dout, pos)


def _ffn_body(te_ref, x_ref, w1_ref, b1_ref, w2_ref, b2_ref, o_ref):
    e = te_ref[pl.program_id(0)]
    hid = jnp.maximum(
        jnp.dot(x_ref[...].astype(jnp.bfloat16), w1_ref[e],
                preferred_element_type=jnp.float32) + b1_ref[e], 0.0)
    o_ref[...] = jnp.dot(hid.astype(jnp.bfloat16), w2_ref[e],
                         preferred_element_type=jnp.float32) + b2_ref[e]


def _ffn(tile_eid, disp, ew1, eb1, ew2, eb2):
    grid_spec = pltpu.PrefetchScalarGridSpec(
        num_scalar_prefetch=1,
        grid=(NT,),
        in_specs=[
            pl.BlockSpec((TILE, D), lambda t, te: (t, 0)),
            pl.BlockSpec((E, D, FF), lambda t, te: (0, 0, 0)),
            pl.BlockSpec((E, 1, FF), lambda t, te: (0, 0, 0)),
            pl.BlockSpec((E, FF, D), lambda t, te: (0, 0, 0)),
            pl.BlockSpec((E, 1, D), lambda t, te: (0, 0, 0)),
        ],
        out_specs=pl.BlockSpec((TILE, D), lambda t, te: (t, 0)),
    )
    return pl.pallas_call(
        _ffn_body,
        grid_spec=grid_spec,
        out_shape=jax.ShapeDtypeStruct((RPAD, D), jnp.float32),
    )(tile_eid, disp, ew1, eb1, ew2, eb2)


def _final_body(y0_ref, y1_ref, g_ref, h_ref, gn_ref, bn_ref, o_ref):
    g0 = g_ref[:, 0:1]
    g1v = g_ref[:, 1:2]
    t = g0 * y0_ref[...] + g1v * y1_ref[...] + h_ref[...]
    m = jnp.mean(t, axis=0, keepdims=True)
    v = jnp.mean((t - m) ** 2, axis=0, keepdims=True)
    o_ref[...] = (t - m) * lax.rsqrt(v + EPS) * gn_ref[...] + bn_ref[...]


def _final_norm(y0, y1, gates, h, g, b):
    CB = 256
    return pl.pallas_call(
        _final_body,
        grid=(D // CB,),
        in_specs=[
            pl.BlockSpec((N, CB), lambda c: (0, c)),
            pl.BlockSpec((N, CB), lambda c: (0, c)),
            pl.BlockSpec((N, 128), lambda c: (0, 0)),
            pl.BlockSpec((N, CB), lambda c: (0, c)),
            pl.BlockSpec((1, CB), lambda c: (0, c)),
            pl.BlockSpec((1, CB), lambda c: (0, c)),
        ],
        out_specs=pl.BlockSpec((N, CB), lambda c: (0, c)),
        out_shape=jax.ShapeDtypeStruct((N, D), jnp.float32),
    )(y0, y1, gates, h, g, b)


def kernel(x, Wq, Wk, Wv, Wo, g1, b1, g2, b2, w_gate, ew1, eb1, ew2, eb2):
    x2 = x.reshape(N, D)
    wqkv = jnp.concatenate([Wq, Wk, Wv], axis=1)
    qkv = _qkv(x2, wqkv)
    o = _attn(qkv)
    t = _proj(o, Wo, x2)

    wg_pad = jnp.pad(w_gate, ((0, 0), (0, 128 - E)))
    h, gates_pad, pos_pad, te_pad = _gating(
        t, wg_pad, g1.reshape(1, D), b1.reshape(1, D))
    tile_eid = te_pad.reshape(128)[:NT]
    pos = jnp.concatenate([pos_pad[:, 0], pos_pad[:, 1]]).reshape(A // CHUNK, CHUNK)

    disp = _sc_dispatch(h, pos)
    dout = _ffn(tile_eid, disp, ew1.astype(jnp.bfloat16),
                eb1.reshape(E, 1, FF), ew2.astype(jnp.bfloat16),
                eb2.reshape(E, 1, D))
    yab = _sc_combine(dout, pos)
    y0 = yab[:N]
    y1 = yab[N:]

    h2 = _final_norm(y0, y1, gates_pad, h, g2.reshape(1, D), b2.reshape(1, D))
    return h2.reshape(B, N, D)

# --- scband reference (transcript-rebuilt; emitter-appended) ---
"""Pipeline reference for scband-multi-head-attention-layer-mo-e-32246614459305 (READ-ONLY COPY).

The authoritative reference and input builder live on the scoring server;
editing this copy changes nothing except your own understanding.
"""

import jax, jax.numpy as jnp
import numpy as np

B, N, D = 1, 2048, 1024
H = 16
HD = D // H
E = 8
K = 2
FF = 512
EPS = 1e-5


def setup_inputs(seed: int = 0):
    key = jax.random.key(seed)
    ks = jax.random.split(key, 16)
    s = 0.02
    return {
        "x": jax.random.normal(ks[0], (B, N, D), jnp.float32),
        "Wq": jax.random.normal(ks[1], (D, D), jnp.float32) * s,
        "Wk": jax.random.normal(ks[2], (D, D), jnp.float32) * s,
        "Wv": jax.random.normal(ks[3], (D, D), jnp.float32) * s,
        "Wo": jax.random.normal(ks[4], (D, D), jnp.float32) * s,
        "g1": jnp.ones((D,), jnp.float32),
        "b1": jnp.zeros((D,), jnp.float32),
        "g2": jnp.ones((D,), jnp.float32),
        "b2": jnp.zeros((D,), jnp.float32),
        "w_gate": jax.random.normal(ks[5], (D, E), jnp.float32) * s,
        "ew1": jax.random.normal(ks[6], (E, D, FF), jnp.float32) * s,
        "eb1": jnp.zeros((E, FF), jnp.float32),
        "ew2": jax.random.normal(ks[7], (E, FF, D), jnp.float32) * s,
        "eb2": jnp.zeros((E, D), jnp.float32),
    }


def _instance_norm(h, g, b):
    # InstanceNorm1d applied over the sequence dim per (batch, channel), affine per channel
    m = jnp.mean(h, axis=1, keepdims=True)
    v = jnp.var(h, axis=1, keepdims=True)
    return (h - m) / jnp.sqrt(v + EPS) * g + b


def _mha(x, Wq, Wk, Wv, Wo):
    q = (x @ Wq).reshape(B, N, H, HD).transpose(0, 2, 1, 3)
    k = (x @ Wk).reshape(B, N, H, HD).transpose(0, 2, 1, 3)
    v = (x @ Wv).reshape(B, N, H, HD).transpose(0, 2, 1, 3)
    att = jax.nn.softmax(q @ k.transpose(0, 1, 3, 2) / jnp.sqrt(jnp.float32(HD)), axis=-1)
    o = (att @ v).transpose(0, 2, 1, 3).reshape(B, N, D)
    return o @ Wo


def _cv_sq(t):
    return jnp.var(t) / (jnp.mean(t) ** 2 + 1e-10)


def _moe(h, w_gate, ew1, eb1, ew2, eb2):
    # noisy top-k gating (eval: clean logits), token-level ('node') input_choice routing
    t = h.reshape(B * N, D)
    logits = t @ w_gate  # T=1.0
    top_logits, top_idx = jax.lax.top_k(logits, K)
    top_gates = jax.nn.softmax(top_logits, axis=-1)
    gates = jnp.zeros((B * N, E), jnp.float32).at[jnp.arange(B * N)[:, None], top_idx].set(top_gates)
    importance = gates.sum(axis=0)
    load = (gates > 0).astype(jnp.float32).sum(axis=0)
    moe_loss = _cv_sq(importance) + _cv_sq(load)
    hid = jax.nn.relu(jnp.einsum('td,edh->teh', t, ew1) + eb1[None, :, :])
    out = jnp.einsum('teh,ehd->ted', hid, ew2) + eb2[None, :, :]
    y = (gates[:, :, None] * out).sum(axis=1)
    return y.reshape(B, N, D), moe_loss


def reference(x, Wq, Wk, Wv, Wo, g1, b1, g2, b2, w_gate, ew1, eb1, ew2, eb2):
    h = _instance_norm(_mha(x, Wq, Wk, Wv, Wo) + x, g1, b1)
    y, moe_loss = _moe(h, w_gate, ew1, eb1, ew2, eb2)
    h2 = _instance_norm(y + h, g2, b2)
    return h2

if __name__ == "__main__":
    import jax
    _d = setup_inputs()
    print(jax.jit(kernel)(*tuple(_d.values())))

</pallas_src>

<mosaic_0001>
#map = affine_map<(d0, d1) -> (0, 0)>
module attributes {stable_mosaic.version = 14 : i64} {
  func.func @sc_dispatch(%arg0: i32, %arg1: i32, %arg2: memref<2048x1024xf32, #tpu.memory_space<hbm>>, %arg3: memref<64x64xi32, #tpu.memory_space<hbm>>, %arg4: memref<6144x1024xf32, #tpu.memory_space<hbm>>, %arg5: memref<64xi32, #tpu.memory_space<vmem>>, %arg6: memref<64x1024xf32, #tpu.memory_space<vmem>>, %arg7: memref<!tpu.dma_semaphore, #tpu.memory_space<semaphore_mem>>) attributes {dimension_semantics = [#tpu.dimension_semantics<core_parallel>, #tpu.dimension_semantics<subcore_parallel>], iteration_bounds = array<i64: 2, 16>, scalar_prefetch = 0 : i64, scratch_operands = 3 : i64, tpu.core_type = #tpu.core_type<sc_vector_subcore>, window_params = [{transform_indices = #map}, {transform_indices = #map}, {transform_indices = #map}]} {
    %mul3A = arith.constant 2 : i32
    %mul3A_0 = arith.muli %arg1, %mul3A : i32
    %add3A = arith.addi %mul3A_0, %arg0 : i32
    %mul3A_1 = arith.constant 128 : i32
    %mul3A_2 = arith.muli %add3A, %mul3A_1 : i32
    %add3A_3 = arith.constant 0 : i32
    %add3A_4 = arith.addi %mul3A_2, %add3A_3 : i32
    %jit3A = arith.constant 2048 : i32
    %eq3A = arith.constant 0 : i32
    %eq3A_5 = arith.cmpi eq, %jit3A, %eq3A : i32
    %jit3A_6 = arith.constant 1 : i32
    %select_n3A = arith.select %eq3A_5, %jit3A_6, %jit3A : i32
    %rem3A = arith.remsi %add3A_4, %select_n3A : i32
    %ne3A = arith.constant 0 : i32
    %ne3A_7 = arith.cmpi ne, %rem3A, %ne3A : i32
    %lt3A = arith.constant 0 : i32
    %lt3A_8 = arith.cmpi slt, %rem3A, %lt3A : i32
    %lt3A_9 = arith.constant 0 : i32
    %lt3A_10 = arith.cmpi slt, %select_n3A, %lt3A_9 : i32
    %ne3A_11 = arith.xori %lt3A_8, %lt3A_10 : i1
    %and3A = arith.andi %ne3A_11, %ne3A_7 : i1
    %add3A_12 = arith.addi %rem3A, %select_n3A : i32
    %select_n3A_13 = arith.select %and3A, %add3A_12, %rem3A : i32
    %mul3A_14 = arith.constant 2 : i32
    %mul3A_15 = arith.muli %add3A, %mul3A_14 : i32
    %add3A_16 = arith.constant 0 : i32
    %add3A_17 = arith.addi %mul3A_15, %add3A_16 : i32
    "tpu.region"() ({
      %run_scoped3A = tpu.sem_alloc : memref<!tpu.dma_semaphore, #tpu.memory_space<semaphore_mem>>
      %dma_start3A_52 = arith.constant 0 : i32
      %dma_start3A_53 = tpu.memref_slice %arg3[%add3A_17, %dma_start3A_52] : memref<64x64xi32, #tpu.memory_space<hbm>> -> memref<1x64xi32, #tpu.memory_space<hbm>>
      %dma_start3A_54 = tpu.memref_squeeze %dma_start3A_53 : memref<1x64xi32, #tpu.memory_space<hbm>> -> memref<64xi32, #tpu.memory_space<hbm>>
      %dma_start3A_55 = arith.constant 0 : i32
      %dma_start3A_56 = tpu.memref_slice %arg3[%add3A_17, %dma_start3A_55] : memref<64x64xi32, #tpu.memory_space<hbm>> -> memref<1x64xi32, #tpu.memory_space<hbm>>
      %dma_start3A_57 = tpu.memref_squeeze %dma_start3A_56 : memref<1x64xi32, #tpu.memory_space<hbm>> -> memref<64xi32, #tpu.memory_space<hbm>>
      tpu.enqueue_dma source(%dma_start3A_57 : memref<64xi32, #tpu.memory_space<hbm>>) target(%arg5 : memref<64xi32, #tpu.memory_space<vmem>>) target_semaphore(%run_scoped3A : memref<!tpu.dma_semaphore, #tpu.memory_space<semaphore_mem>>)
      %dma_wait3A_58 = arith.constant 0 : i32
      %dma_wait3A_59 = tpu.memref_slice %arg3[%add3A_17, %dma_wait3A_58] : memref<64x64xi32, #tpu.memory_space<hbm>> -> memref<1x64xi32, #tpu.memory_space<hbm>>
      %dma_wait3A_60 = tpu.memref_squeeze %dma_wait3A_59 : memref<1x64xi32, #tpu.memory_space<hbm>> -> memref<64xi32, #tpu.memory_space<hbm>>
      %dma_wait3A_61 = arith.constant 0 : i32
      %dma_wait3A_62 = tpu.memref_slice %arg3[%add3A_17, %dma_wait3A_61] : memref<64x64xi32, #tpu.memory_space<hbm>> -> memref<1x64xi32, #tpu.memory_space<hbm>>
      %dma_wait3A_63 = tpu.memref_squeeze %dma_wait3A_62 : memref<1x64xi32, #tpu.memory_space<hbm>> -> memref<64xi32, #tpu.memory_space<hbm>>
      tpu.wait_dma2 semaphore(%run_scoped3A : memref<!tpu.dma_semaphore, #tpu.memory_space<semaphore_mem>>) src(%dma_wait3A_63 : memref<64xi32, #tpu.memory_space<hbm>>) dst(%arg5 : memref<64xi32, #tpu.memory_space<vmem>>)
      tpu.yield
    }) : () -> ()
    "tpu.region"() ({
      %run_scoped3A = tpu.sem_alloc : memref<!tpu.dma_semaphore, #tpu.memory_space<semaphore_mem>>
      %dma_start3A_52 = arith.constant 0 : i32
      %dma_start3A_53 = tpu.memref_slice %arg2[%select_n3A_13, %dma_start3A_52] : memref<2048x1024xf32, #tpu.memory_space<hbm>> -> memref<64x1024xf32, #tpu.memory_space<hbm>>
      %dma_start3A_54 = arith.constant 0 : i32
      %dma_start3A_55 = tpu.memref_slice %arg2[%select_n3A_13, %dma_start3A_54] : memref<2048x1024xf32, #tpu.memory_space<hbm>> -> memref<64x1024xf32, #tpu.memory_space<hbm>>
      tpu.enqueue_dma source(%dma_start3A_55 : memref<64x1024xf32, #tpu.memory_space<hbm>>) target(%arg6 : memref<64x1024xf32, #tpu.memory_space<vmem>>) target_semaphore(%run_scoped3A : memref<!tpu.dma_semaphore, #tpu.memory_space<semaphore_mem>>)
      %dma_wait3A_56 = arith.constant 0 : i32
      %dma_wait3A_57 = tpu.memref_slice %arg2[%select_n3A_13, %dma_wait3A_56] : memref<2048x1024xf32, #tpu.memory_space<hbm>> -> memref<64x1024xf32, #tpu.memory_space<hbm>>
      %dma_wait3A_58 = arith.constant 0 : i32
      %dma_wait3A_59 = tpu.memref_slice %arg2[%select_n3A_13, %dma_wait3A_58] : memref<2048x1024xf32, #tpu.memory_space<hbm>> -> memref<64x1024xf32, #tpu.memory_space<hbm>>
      tpu.wait_dma2 semaphore(%run_scoped3A : memref<!tpu.dma_semaphore, #tpu.memory_space<semaphore_mem>>) src(%dma_wait3A_59 : memref<64x1024xf32, #tpu.memory_space<hbm>>) dst(%arg6 : memref<64x1024xf32, #tpu.memory_space<vmem>>)
      tpu.yield
    }) : () -> ()
    %dma_start3A = arith.constant 0 : i32
    %dma_start3A_18 = arith.constant 0 : i32
    %dma_start3A_19 = tpu.memref_slice %arg4[%dma_start3A, %dma_start3A_18] : memref<6144x1024xf32, #tpu.memory_space<hbm>> -> memref<6144x1024xf32, #tpu.memory_space<hbm>>
    tpu.enqueue_indirect_dma source(%arg6 : memref<64x1024xf32, #tpu.memory_space<vmem>>) target(%dma_start3A_19 : memref<6144x1024xf32, #tpu.memory_space<hbm>>) offsets(%arg5 : memref<64xi32, #tpu.memory_space<vmem>>) semaphore(%arg7 : memref<!tpu.dma_semaphore, #tpu.memory_space<semaphore_mem>>)
    %dma_wait3A = arith.constant 0 : i32
    %dma_wait3A_20 = arith.constant 0 : i32
    %dma_wait3A_21 = tpu.memref_slice %arg4[%dma_wait3A, %dma_wait3A_20] : memref<6144x1024xf32, #tpu.memory_space<hbm>> -> memref<6144x1024xf32, #tpu.memory_space<hbm>>
    tpu.wait_indirect_dma semaphore(%arg7 : memref<!tpu.dma_semaphore, #tpu.memory_space<semaphore_mem>>) src(%arg6 : memref<64x1024xf32, #tpu.memory_space<vmem>>) dst(%dma_wait3A_21 : memref<6144x1024xf32, #tpu.memory_space<hbm>>)
    %mul3A_22 = arith.constant 128 : i32
    %mul3A_23 = arith.muli %add3A, %mul3A_22 : i32
    %add3A_24 = arith.constant 64 : i32
    %add3A_25 = arith.addi %mul3A_23, %add3A_24 : i32
    %jit3A_26 = arith.constant 2048 : i32
    %eq3A_27 = arith.constant 0 : i32
    %eq3A_28 = arith.cmpi eq, %jit3A_26, %eq3A_27 : i32
    %jit3A_29 = arith.constant 1 : i32
    %select_n3A_30 = arith.select %eq3A_28, %jit3A_29, %jit3A_26 : i32
    %rem3A_31 = arith.remsi %add3A_25, %select_n3A_30 : i32
    %ne3A_32 = arith.constant 0 : i32
    %ne3A_33 = arith.cmpi ne, %rem3A_31, %ne3A_32 : i32
    %lt3A_34 = arith.constant 0 : i32
    %lt3A_35 = arith.cmpi slt, %rem3A_31, %lt3A_34 : i32
    %lt3A_36 = arith.constant 0 : i32
    %lt3A_37 = arith.cmpi slt, %select_n3A_30, %lt3A_36 : i32
    %ne3A_38 = arith.xori %lt3A_35, %lt3A_37 : i1
    %and3A_39 = arith.andi %ne3A_38, %ne3A_33 : i1
    %add3A_40 = arith.addi %rem3A_31, %select_n3A_30 : i32
    %select_n3A_41 = arith.select %and3A_39, %add3A_40, %rem3A_31 : i32
    %mul3A_42 = arith.constant 2 : i32
    %mul3A_43 = arith.muli %add3A, %mul3A_42 : i32
    %add3A_44 = arith.constant 1 : i32
    %add3A_45 = arith.addi %mul3A_43, %add3A_44 : i32
    "tpu.region"() ({
      %run_scoped3A = tpu.sem_alloc : memref<!tpu.dma_semaphore, #tpu.memory_space<semaphore_mem>>
      %dma_start3A_52 = arith.constant 0 : i32
      %dma_start3A_53 = tpu.memref_slice %arg3[%add3A_45, %dma_start3A_52] : memref<64x64xi32, #tpu.memory_space<hbm>> -> memref<1x64xi32, #tpu.memory_space<hbm>>
      %dma_start3A_54 = tpu.memref_squeeze %dma_start3A_53 : memref<1x64xi32, #tpu.memory_space<hbm>> -> memref<64xi32, #tpu.memory_space<hbm>>
      %dma_start3A_55 = arith.constant 0 : i32
      %dma_start3A_56 = tpu.memref_slice %arg3[%add3A_45, %dma_start3A_55] : memref<64x64xi32, #tpu.memory_space<hbm>> -> memref<1x64xi32, #tpu.memory_space<hbm>>
      %dma_start3A_57 = tpu.memref_squeeze %dma_start3A_56 : memref<1x64xi32, #tpu.memory_space<hbm>> -> memref<64xi32, #tpu.memory_space<hbm>>
      tpu.enqueue_dma source(%dma_start3A_57 : memref<64xi32, #tpu.memory_space<hbm>>) target(%arg5 : memref<64xi32, #tpu.memory_space<vmem>>) target_semaphore(%run_scoped3A : memref<!tpu.dma_semaphore, #tpu.memory_space<semaphore_mem>>)
      %dma_wait3A_58 = arith.constant 0 : i32
      %dma_wait3A_59 = tpu.memref_slice %arg3[%add3A_45, %dma_wait3A_58] : memref<64x64xi32, #tpu.memory_space<hbm>> -> memref<1x64xi32, #tpu.memory_space<hbm>>
      %dma_wait3A_60 = tpu.memref_squeeze %dma_wait3A_59 : memref<1x64xi32, #tpu.memory_space<hbm>> -> memref<64xi32, #tpu.memory_space<hbm>>
      %dma_wait3A_61 = arith.constant 0 : i32
      %dma_wait3A_62 = tpu.memref_slice %arg3[%add3A_45, %dma_wait3A_61] : memref<64x64xi32, #tpu.memory_space<hbm>> -> memref<1x64xi32, #tpu.memory_space<hbm>>
      %dma_wait3A_63 = tpu.memref_squeeze %dma_wait3A_62 : memref<1x64xi32, #tpu.memory_space<hbm>> -> memref<64xi32, #tpu.memory_space<hbm>>
      tpu.wait_dma2 semaphore(%run_scoped3A : memref<!tpu.dma_semaphore, #tpu.memory_space<semaphore_mem>>) src(%dma_wait3A_63 : memref<64xi32, #tpu.memory_space<hbm>>) dst(%arg5 : memref<64xi32, #tpu.memory_space<vmem>>)
      tpu.yield
    }) : () -> ()
    "tpu.region"() ({
      %run_scoped3A = tpu.sem_alloc : memref<!tpu.dma_semaphore, #tpu.memory_space<semaphore_mem>>
      %dma_start3A_52 = arith.constant 0 : i32
      %dma_start3A_53 = tpu.memref_slice %arg2[%select_n3A_41, %dma_start3A_52] : memref<2048x1024xf32, #tpu.memory_space<hbm>> -> memref<64x1024xf32, #tpu.memory_space<hbm>>
      %dma_start3A_54 = arith.constant 0 : i32
      %dma_start3A_55 = tpu.memref_slice %arg2[%select_n3A_41, %dma_start3A_54] : memref<2048x1024xf32, #tpu.memory_space<hbm>> -> memref<64x1024xf32, #tpu.memory_space<hbm>>
      tpu.enqueue_dma source(%dma_start3A_55 : memref<64x1024xf32, #tpu.memory_space<hbm>>) target(%arg6 : memref<64x1024xf32, #tpu.memory_space<vmem>>) target_semaphore(%run_scoped3A : memref<!tpu.dma_semaphore, #tpu.memory_space<semaphore_mem>>)
      %dma_wait3A_56 = arith.constant 0 : i32
      %dma_wait3A_57 = tpu.memref_slice %arg2[%select_n3A_41, %dma_wait3A_56] : memref<2048x1024xf32, #tpu.memory_space<hbm>> -> memref<64x1024xf32, #tpu.memory_space<hbm>>
      %dma_wait3A_58 = arith.constant 0 : i32
      %dma_wait3A_59 = tpu.memref_slice %arg2[%select_n3A_41, %dma_wait3A_58] : memref<2048x1024xf32, #tpu.memory_space<hbm>> -> memref<64x1024xf32, #tpu.memory_space<hbm>>
      tpu.wait_dma2 semaphore(%run_scoped3A : memref<!tpu.dma_semaphore, #tpu.memory_space<semaphore_mem>>) src(%dma_wait3A_59 : memref<64x1024xf32, #tpu.memory_space<hbm>>) dst(%arg6 : memref<64x1024xf32, #tpu.memory_space<vmem>>)
      tpu.yield
    }) : () -> ()
    %dma_start3A_46 = arith.constant 0 : i32
    %dma_start3A_47 = arith.constant 0 : i32
    %dma_start3A_48 = tpu.memref_slice %arg4[%dma_start3A_46, %dma_start3A_47] : memref<6144x1024xf32, #tpu.memory_space<hbm>> -> memref<6144x1024xf32, #tpu.memory_space<hbm>>
    tpu.enqueue_indirect_dma source(%arg6 : memref<64x1024xf32, #tpu.memory_space<vmem>>) target(%dma_start3A_48 : memref<6144x1024xf32, #tpu.memory_space<hbm>>) offsets(%arg5 : memref<64xi32, #tpu.memory_space<vmem>>) semaphore(%arg7 : memref<!tpu.dma_semaphore, #tpu.memory_space<semaphore_mem>>)
    %dma_wait3A_49 = arith.constant 0 : i32
    %dma_wait3A_50 = arith.constant 0 : i32
    %dma_wait3A_51 = tpu.memref_slice %arg4[%dma_wait3A_49, %dma_wait3A_50] : memref<6144x1024xf32, #tpu.memory_space<hbm>> -> memref<6144x1024xf32, #tpu.memory_space<hbm>>
    tpu.wait_indirect_dma semaphore(%arg7 : memref<!tpu.dma_semaphore, #tpu.memory_space<semaphore_mem>>) src(%arg6 : memref<64x1024xf32, #tpu.memory_space<vmem>>) dst(%dma_wait3A_51 : memref<6144x1024xf32, #tpu.memory_space<hbm>>)
    return
  }
}

#map = affine_map<(d0, d1) -> (0, 0)>
module attributes {stable_mosaic.version = 14 : i64} {
  func.func @sc_combine(%arg0: i32, %arg1: i32, %arg2: memref<6144x1024xf32, #tpu.memory_space<hbm>>, %arg3: memref<64x64xi32, #tpu.memory_space<hbm>>, %arg4: memref<4096x1024xf32, #tpu.memory_space<hbm>>, %arg5: memref<64xi32, #tpu.memory_space<vmem>>, %arg6: memref<64x1024xf32, #tpu.memory_space<vmem>>, %arg7: memref<!tpu.dma_semaphore, #tpu.memory_space<semaphore_mem>>) attributes {dimension_semantics = [#tpu.dimension_semantics<core_parallel>, #tpu.dimension_semantics<subcore_parallel>], iteration_bounds = array<i64: 2, 16>, scalar_prefetch = 0 : i64, scratch_operands = 3 : i64, tpu.core_type = #tpu.core_type<sc_vector_subcore>, window_params = [{transform_indices = #map}, {transform_indices = #map}, {transform_indices = #map}]} {
    %mul3A = arith.constant 2 : i32
    %mul3A_0 = arith.muli %arg1, %mul3A : i32
    %add3A = arith.addi %mul3A_0, %arg0 : i32
    %mul3A_1 = arith.constant 128 : i32
    %mul3A_2 = arith.muli %add3A, %mul3A_1 : i32
    %add3A_3 = arith.constant 0 : i32
    %add3A_4 = arith.addi %mul3A_2, %add3A_3 : i32
    %mul3A_5 = arith.constant 2 : i32
    %mul3A_6 = arith.muli %add3A, %mul3A_5 : i32
    %add3A_7 = arith.constant 0 : i32
    %add3A_8 = arith.addi %mul3A_6, %add3A_7 : i32
    "tpu.region"() ({
      %run_scoped3A = tpu.sem_alloc : memref<!tpu.dma_semaphore, #tpu.memory_space<semaphore_mem>>
      %dma_start3A_27 = arith.constant 0 : i32
      %dma_start3A_28 = tpu.memref_slice %arg3[%add3A_8, %dma_start3A_27] : memref<64x64xi32, #tpu.memory_space<hbm>> -> memref<1x64xi32, #tpu.memory_space<hbm>>
      %dma_start3A_29 = tpu.memref_squeeze %dma_start3A_28 : memref<1x64xi32, #tpu.memory_space<hbm>> -> memref<64xi32, #tpu.memory_space<hbm>>
      %dma_start3A_30 = arith.constant 0 : i32
      %dma_start3A_31 = tpu.memref_slice %arg3[%add3A_8, %dma_start3A_30] : memref<64x64xi32, #tpu.memory_space<hbm>> -> memref<1x64xi32, #tpu.memory_space<hbm>>
      %dma_start3A_32 = tpu.memref_squeeze %dma_start3A_31 : memref<1x64xi32, #tpu.memory_space<hbm>> -> memref<64xi32, #tpu.memory_space<hbm>>
      tpu.enqueue_dma source(%dma_start3A_32 : memref<64xi32, #tpu.memory_space<hbm>>) target(%arg5 : memref<64xi32, #tpu.memory_space<vmem>>) target_semaphore(%run_scoped3A : memref<!tpu.dma_semaphore, #tpu.memory_space<semaphore_mem>>)
      %dma_wait3A_33 = arith.constant 0 : i32
      %dma_wait3A_34 = tpu.memref_slice %arg3[%add3A_8, %dma_wait3A_33] : memref<64x64xi32, #tpu.memory_space<hbm>> -> memref<1x64xi32, #tpu.memory_space<hbm>>
      %dma_wait3A_35 = tpu.memref_squeeze %dma_wait3A_34 : memref<1x64xi32, #tpu.memory_space<hbm>> -> memref<64xi32, #tpu.memory_space<hbm>>
      %dma_wait3A_36 = arith.constant 0 : i32
      %dma_wait3A_37 = tpu.memref_slice %arg3[%add3A_8, %dma_wait3A_36] : memref<64x64xi32, #tpu.memory_space<hbm>> -> memref<1x64xi32, #tpu.memory_space<hbm>>
      %dma_wait3A_38 = tpu.memref_squeeze %dma_wait3A_37 : memref<1x64xi32, #tpu.memory_space<hbm>> -> memref<64xi32, #tpu.memory_space<hbm>>
      tpu.wait_dma2 semaphore(%run_scoped3A : memref<!tpu.dma_semaphore, #tpu.memory_space<semaphore_mem>>) src(%dma_wait3A_38 : memref<64xi32, #tpu.memory_space<hbm>>) dst(%arg5 : memref<64xi32, #tpu.memory_space<vmem>>)
      tpu.yield
    }) : () -> ()
    %dma_start3A = arith.constant 0 : i32
    %dma_start3A_9 = arith.constant 0 : i32
    %dma_start3A_10 = tpu.memref_slice %arg2[%dma_start3A, %dma_start3A_9] : memref<6144x1024xf32, #tpu.memory_space<hbm>> -> memref<6144x1024xf32, #tpu.memory_space<hbm>>
    tpu.enqueue_indirect_dma source(%dma_start3A_10 : memref<6144x1024xf32, #tpu.memory_space<hbm>>) target(%arg6 : memref<64x1024xf32, #tpu.memory_space<vmem>>) offsets(%arg5 : memref<64xi32, #tpu.memory_space<vmem>>) semaphore(%arg7 : memref<!tpu.dma_semaphore, #tpu.memory_space<semaphore_mem>>)
    %dma_wait3A = arith.constant 0 : i32
    %dma_wait3A_11 = arith.constant 0 : i32
    %dma_wait3A_12 = tpu.memref_slice %arg2[%dma_wait3A, %dma_wait3A_11] : memref<6144x1024xf32, #tpu.memory_space<hbm>> -> memref<6144x1024xf32, #tpu.memory_space<hbm>>
    tpu.wait_indirect_dma semaphore(%arg7 : memref<!tpu.dma_semaphore, #tpu.memory_space<semaphore_mem>>) src(%dma_wait3A_12 : memref<6144x1024xf32, #tpu.memory_space<hbm>>) dst(%arg6 : memref<64x1024xf32, #tpu.memory_space<vmem>>)
    "tpu.region"() ({
      %run_scoped3A = tpu.sem_alloc : memref<!tpu.dma_semaphore, #tpu.memory_space<semaphore_mem>>
      %dma_start3A_27 = arith.constant 0 : i32
      %dma_start3A_28 = tpu.memref_slice %arg4[%add3A_4, %dma_start3A_27] : memref<4096x1024xf32, #tpu.memory_space<hbm>> -> memref<64x1024xf32, #tpu.memory_space<hbm>>
      %dma_start3A_29 = arith.constant 0 : i32
      %dma_start3A_30 = tpu.memref_slice %arg4[%add3A_4, %dma_start3A_29] : memref<4096x1024xf32, #tpu.memory_space<hbm>> -> memref<64x1024xf32, #tpu.memory_space<hbm>>
      tpu.enqueue_dma source(%arg6 : memref<64x1024xf32, #tpu.memory_space<vmem>>) target(%dma_start3A_30 : memref<64x1024xf32, #tpu.memory_space<hbm>>) target_semaphore(%run_scoped3A : memref<!tpu.dma_semaphore, #tpu.memory_space<semaphore_mem>>)
      %dma_wait3A_31 = arith.constant 0 : i32
      %dma_wait3A_32 = tpu.memref_slice %arg4[%add3A_4, %dma_wait3A_31] : memref<4096x1024xf32, #tpu.memory_space<hbm>> -> memref<64x1024xf32, #tpu.memory_space<hbm>>
      %dma_wait3A_33 = arith.constant 0 : i32
      %dma_wait3A_34 = tpu.memref_slice %arg4[%add3A_4, %dma_wait3A_33] : memref<4096x1024xf32, #tpu.memory_space<hbm>> -> memref<64x1024xf32, #tpu.memory_space<hbm>>
      tpu.wait_dma2 semaphore(%run_scoped3A : memref<!tpu.dma_semaphore, #tpu.memory_space<semaphore_mem>>) src(%arg6 : memref<64x1024xf32, #tpu.memory_space<vmem>>) dst(%dma_wait3A_34 : memref<64x1024xf32, #tpu.memory_space<hbm>>)
      tpu.yield
    }) : () -> ()
    %mul3A_13 = arith.constant 128 : i32
    %mul3A_14 = arith.muli %add3A, %mul3A_13 : i32
    %add3A_15 = arith.constant 64 : i32
    %add3A_16 = arith.addi %mul3A_14, %add3A_15 : i32
    %mul3A_17 = arith.constant 2 : i32
    %mul3A_18 = arith.muli %add3A, %mul3A_17 : i32
    %add3A_19 = arith.constant 1 : i32
    %add3A_20 = arith.addi %mul3A_18, %add3A_19 : i32
    "tpu.region"() ({
      %run_scoped3A = tpu.sem_alloc : memref<!tpu.dma_semaphore, #tpu.memory_space<semaphore_mem>>
      %dma_start3A_27 = arith.constant 0 : i32
      %dma_start3A_28 = tpu.memref_slice %arg3[%add3A_20, %dma_start3A_27] : memref<64x64xi32, #tpu.memory_space<hbm>> -> memref<1x64xi32, #tpu.memory_space<hbm>>
      %dma_start3A_29 = tpu.memref_squeeze %dma_start3A_28 : memref<1x64xi32, #tpu.memory_space<hbm>> -> memref<64xi32, #tpu.memory_space<hbm>>
      %dma_start3A_30 = arith.constant 0 : i32
      %dma_start3A_31 = tpu.memref_slice %arg3[%add3A_20, %dma_start3A_30] : memref<64x64xi32, #tpu.memory_space<hbm>> -> memref<1x64xi32, #tpu.memory_space<hbm>>
      %dma_start3A_32 = tpu.memref_squeeze %dma_start3A_31 : memref<1x64xi32, #tpu.memory_space<hbm>> -> memref<64xi32, #tpu.memory_space<hbm>>
      tpu.enqueue_dma source(%dma_start3A_32 : memref<64xi32, #tpu.memory_space<hbm>>) target(%arg5 : memref<64xi32, #tpu.memory_space<vmem>>) target_semaphore(%run_scoped3A : memref<!tpu.dma_semaphore, #tpu.memory_space<semaphore_mem>>)
      %dma_wait3A_33 = arith.constant 0 : i32
      %dma_wait3A_34 = tpu.memref_slice %arg3[%add3A_20, %dma_wait3A_33] : memref<64x64xi32, #tpu.memory_space<hbm>> -> memref<1x64xi32, #tpu.memory_space<hbm>>
      %dma_wait3A_35 = tpu.memref_squeeze %dma_wait3A_34 : memref<1x64xi32, #tpu.memory_space<hbm>> -> memref<64xi32, #tpu.memory_space<hbm>>
      %dma_wait3A_36 = arith.constant 0 : i32
      %dma_wait3A_37 = tpu.memref_slice %arg3[%add3A_20, %dma_wait3A_36] : memref<64x64xi32, #tpu.memory_space<hbm>> -> memref<1x64xi32, #tpu.memory_space<hbm>>
      %dma_wait3A_38 = tpu.memref_squeeze %dma_wait3A_37 : memref<1x64xi32, #tpu.memory_space<hbm>> -> memref<64xi32, #tpu.memory_space<hbm>>
      tpu.wait_dma2 semaphore(%run_scoped3A : memref<!tpu.dma_semaphore, #tpu.memory_space<semaphore_mem>>) src(%dma_wait3A_38 : memref<64xi32, #tpu.memory_space<hbm>>) dst(%arg5 : memref<64xi32, #tpu.memory_space<vmem>>)
      tpu.yield
    }) : () -> ()
    %dma_start3A_21 = arith.constant 0 : i32
    %dma_start3A_22 = arith.constant 0 : i32
    %dma_start3A_23 = tpu.memref_slice %arg2[%dma_start3A_21, %dma_start3A_22] : memref<6144x1024xf32, #tpu.memory_space<hbm>> -> memref<6144x1024xf32, #tpu.memory_space<hbm>>
    tpu.enqueue_indirect_dma source(%dma_start3A_23 : memref<6144x1024xf32, #tpu.memory_space<hbm>>) target(%arg6 : memref<64x1024xf32, #tpu.memory_space<vmem>>) offsets(%arg5 : memref<64xi32, #tpu.memory_space<vmem>>) semaphore(%arg7 : memref<!tpu.dma_semaphore, #tpu.memory_space<semaphore_mem>>)
    %dma_wait3A_24 = arith.constant 0 : i32
    %dma_wait3A_25 = arith.constant 0 : i32
    %dma_wait3A_26 = tpu.memref_slice %arg2[%dma_wait3A_24, %dma_wait3A_25] : memref<6144x1024xf32, #tpu.memory_space<hbm>> -> memref<6144x1024xf32, #tpu.memory_space<hbm>>
    tpu.wait_indirect_dma semaphore(%arg7 : memref<!tpu.dma_semaphore, #tpu.memory_space<semaphore_mem>>) src(%dma_wait3A_26 : memref<6144x1024xf32, #tpu.memory_space<hbm>>) dst(%arg6 : memref<64x1024xf32, #tpu.memory_space<vmem>>)
    "tpu.region"() ({
      %run_scoped3A = tpu.sem_alloc : memref<!tpu.dma_semaphore, #tpu.memory_space<semaphore_mem>>
      %dma_start3A_27 = arith.constant 0 : i32
      %dma_start3A_28 = tpu.memref_slice %arg4[%add3A_16, %dma_start3A_27] : memref<4096x1024xf32, #tpu.memory_space<hbm>> -> memref<64x1024xf32, #tpu.memory_space<hbm>>
      %dma_start3A_29 = arith.constant 0 : i32
      %dma_start3A_30 = tpu.memref_slice %arg4[%add3A_16, %dma_start3A_29] : memref<4096x1024xf32, #tpu.memory_space<hbm>> -> memref<64x1024xf32, #tpu.memory_space<hbm>>
      tpu.enqueue_dma source(%arg6 : memref<64x1024xf32, #tpu.memory_space<vmem>>) target(%dma_start3A_30 : memref<64x1024xf32, #tpu.memory_space<hbm>>) target_semaphore(%run_scoped3A : memref<!tpu.dma_semaphore, #tpu.memory_space<semaphore_mem>>)
      %dma_wait3A_31 = arith.constant 0 : i32
      %dma_wait3A_32 = tpu.memref_slice %arg4[%add3A_16, %dma_wait3A_31] : memref<4096x1024xf32, #tpu.memory_space<hbm>> -> memref<64x1024xf32, #tpu.memory_space<hbm>>
      %dma_wait3A_33 = arith.constant 0 : i32
      %dma_wait3A_34 = tpu.memref_slice %arg4[%add3A_16, %dma_wait3A_33] : memref<4096x1024xf32, #tpu.memory_space<hbm>> -> memref<64x1024xf32, #tpu.memory_space<hbm>>
      tpu.wait_dma2 semaphore(%run_scoped3A : memref<!tpu.dma_semaphore, #tpu.memory_space<semaphore_mem>>) src(%arg6 : memref<64x1024xf32, #tpu.memory_space<vmem>>) dst(%dma_wait3A_34 : memref<64x1024xf32, #tpu.memory_space<hbm>>)
      tpu.yield
    }) : () -> ()
    return
  }
}

module attributes {stable_mosaic.version = 14 : i64} {
  func.func @_attn_body(%arg0: i32, %arg1: i32, %arg2: memref<512x128xf32, #tpu.memory_space<vmem>>, %arg3: memref<2048x128xf32, #tpu.memory_space<vmem>>, %arg4: memref<2048x128xf32, #tpu.memory_space<vmem>>, %arg5: memref<512x128xf32, #tpu.memory_space<vmem>>) attributes {dimension_semantics = [#tpu.dimension_semantics<arbitrary>, #tpu.dimension_semantics<arbitrary>], iteration_bounds = array<i64: 8, 4>, scalar_prefetch = 0 : i64, scratch_operands = 0 : i64, tpu.core_type = #tpu.core_type<tc>, window_params = [{transform_indices = @transform_0, window_bounds = array<i64: 512, 128>}, {transform_indices = @transform_1, window_bounds = array<i64: 2048, 128>}, {transform_indices = @transform_2, window_bounds = array<i64: 2048, 128>}, {transform_indices = @transform_3, window_bounds = array<i64: 512, 128>}]} {
    %get3A = arith.constant 0 : index
    %get3A_0 = arith.constant 0 : index
    %get3A_1 = vector.load %arg2[%get3A, %get3A_0] : memref<512x128xf32, #tpu.memory_space<vmem>>, vector<512x64xf32>
    %get3A_2 = arith.constant 0 : index
    %get3A_3 = arith.constant 0 : index
    %get3A_4 = vector.load %arg3[%get3A_2, %get3A_3] : memref<2048x128xf32, #tpu.memory_space<vmem>>, vector<2048x64xf32>
    %get3A_5 = arith.constant 0 : index
    %get3A_6 = arith.constant 0 : index
    %get3A_7 = vector.load %arg4[%get3A_5, %get3A_6] : memref<2048x128xf32, #tpu.memory_space<vmem>>, vector<2048x64xf32>
    %dot_general3A = arith.constant dense<0.000000e+00> : vector<512x2048xf32>
    %dot_general3A_8 = tpu.matmul %get3A_1, %get3A_4, %dot_general3A {dimension_numbers = #tpu.dot_dimension_numbers<[1], [1], [0], [0], [0, 0, 1, 0], [], []>, transpose_lhs_hint = false} : vector<512x64xf32>, vector<2048x64xf32>, vector<512x2048xf32> -> vector<512x2048xf32>
    %mul3A = arith.constant 1.250000e-01 : f32
    %mul3A_9 = vector.broadcast %mul3A : f32 to vector<512x2048xf32>
    %mul3A_10 = arith.mulf %dot_general3A_8, %mul3A_9 : vector<512x2048xf32>
    %exp3A = math.exp %mul3A_10 : vector<512x2048xf32>
    %reduce_sum3A = arith.constant dense<0.000000e+00> : vector<512xf32>
    %reduce_sum3A_11 = vector.multi_reduction <add>, %exp3A, %reduce_sum3A [1] : vector<512x2048xf32> to vector<512xf32>
    %broadcast_in_dim3A = vector.shape_cast %reduce_sum3A_11 : vector<512xf32> to vector<512x1xf32>
    %div3A = arith.constant 1.000000e+00 : f32
    %div3A_12 = vector.broadcast %div3A : f32 to vector<512x1xf32>
    %div3A_13 = arith.divf %div3A_12, %broadcast_in_dim3A : vector<512x1xf32>
    %dot_general3A_14 = arith.constant dense<0.000000e+00> : vector<512x64xf32>
    %dot_general3A_15 = tpu.matmul %exp3A, %get3A_7, %dot_general3A_14 {dimension_numbers = #tpu.dot_dimension_numbers<[1], [0], [0], [1], [0, 0, 1, 1], [], []>, transpose_lhs_hint = false} : vector<512x2048xf32>, vector<2048x64xf32>, vector<512x64xf32> -> vector<512x64xf32>
    %mul3A_16 = vector.broadcast %div3A_13 : vector<512x1xf32> to vector<512x64xf32>
    %mul3A_17 = arith.mulf %dot_general3A_15, %mul3A_16 : vector<512x64xf32>
    %swap3A = arith.constant 0 : index
    %swap3A_18 = arith.constant 0 : index
    %swap3A_19 = vector.load %arg5[%swap3A, %swap3A_18] : memref<512x128xf32, #tpu.memory_space<vmem>>, vector<512x64xf32>
    tpu.vector_store %arg5[%swap3A, %swap3A_18], %mul3A_17 {strides = array<i32>} : memref<512x128xf32, #tpu.memory_space<vmem>>, vector<512x64xf32>,
    %get3A_20 = arith.constant 0 : index
    %get3A_21 = arith.constant 64 : index
    %get3A_22 = vector.load %arg2[%get3A_20, %get3A_21] : memref<512x128xf32, #tpu.memory_space<vmem>>, vector<512x64xf32>
    %get3A_23 = arith.constant 0 : index
    %get3A_24 = arith.constant 64 : index
    %get3A_25 = vector.load %arg3[%get3A_23, %get3A_24] : memref<2048x128xf32, #tpu.memory_space<vmem>>, vector<2048x64xf32>
    %get3A_26 = arith.constant 0 : index
    %get3A_27 = arith.constant 64 : index
    %get3A_28 = vector.load %arg4[%get3A_26, %get3A_27] : memref<2048x128xf32, #tpu.memory_space<vmem>>, vector<2048x64xf32>
    %dot_general3A_29 = arith.constant dense<0.000000e+00> : vector<512x2048xf32>
    %dot_general3A_30 = tpu.matmul %get3A_22, %get3A_25, %dot_general3A_29 {dimension_numbers = #tpu.dot_dimension_numbers<[1], [1], [0], [0], [0, 0, 1, 0], [], []>, transpose_lhs_hint = false} : vector<512x64xf32>, vector<2048x64xf32>, vector<512x2048xf32> -> vector<512x2048xf32>
    %mul3A_31 = arith.constant 1.250000e-01 : f32
    %mul3A_32 = vector.broadcast %mul3A_31 : f32 to vector<512x2048xf32>
    %mul3A_33 = arith.mulf %dot_general3A_30, %mul3A_32 : vector<512x2048xf32>
    %exp3A_34 = math.exp %mul3A_33 : vector<512x2048xf32>
    %reduce_sum3A_35 = arith.constant dense<0.000000e+00> : vector<512xf32>
    %reduce_sum3A_36 = vector.multi_reduction <add>, %exp3A_34, %reduce_sum3A_35 [1] : vector<512x2048xf32> to vector<512xf32>
    %broadcast_in_dim3A_37 = vector.shape_cast %reduce_sum3A_36 : vector<512xf32> to vector<512x1xf32>
    %div3A_38 = arith.constant 1.000000e+00 : f32
    %div3A_39 = vector.broadcast %div3A_38 : f32 to vector<512x1xf32>
    %div3A_40 = arith.divf %div3A_39, %broadcast_in_dim3A_37 : vector<512x1xf32>
    %dot_general3A_41 = arith.constant dense<0.000000e+00> : vector<512x64xf32>
    %dot_general3A_42 = tpu.matmul %exp3A_34, %get3A_28, %dot_general3A_41 {dimension_numbers = #tpu.dot_dimension_numbers<[1], [0], [0], [1], [0, 0, 1, 1], [], []>, transpose_lhs_hint = false} : vector<512x2048xf32>, vector<2048x64xf32>, vector<512x64xf32> -> vector<512x64xf32>
    %mul3A_43 = vector.broadcast %div3A_40 : vector<512x1xf32> to vector<512x64xf32>
    %mul3A_44 = arith.mulf %dot_general3A_42, %mul3A_43 : vector<512x64xf32>
    %swap3A_45 = arith.constant 0 : index
    %swap3A_46 = arith.constant 64 : index
    %swap3A_47 = vector.load %arg5[%swap3A_45, %swap3A_46] : memref<512x128xf32, #tpu.memory_space<vmem>>, vector<512x64xf32>
    tpu.vector_store %arg5[%swap3A_45, %swap3A_46], %mul3A_44 {strides = array<i32>} : memref<512x128xf32, #tpu.memory_space<vmem>>, vector<512x64xf32>,
    return
  }
  func.func @transform_0(%arg0: i32, %arg1: i32) -> (i32, i32) {
    %c0_i32 = arith.constant 0 : i32
    return %arg1, %arg0 : i32, i32
  }
  func.func @transform_1(%arg0: i32, %arg1: i32) -> (i32, i32) {
    %add3A = arith.constant 8 : i32
    %add3A_0 = arith.addi %add3A, %arg0 : i32
    %c0_i32 = arith.constant 0 : i32
    %c0_i32_1 = arith.constant 0 : i32
    return %c0_i32, %add3A_0 : i32, i32
  }
  func.func @transform_2(%arg0: i32, %arg1: i32) -> (i32, i32) {
    %add3A = arith.constant 16 : i32
    %add3A_0 = arith.addi %add3A, %arg0 : i32
    %c0_i32 = arith.constant 0 : i32
    %c0_i32_1 = arith.constant 0 : i32
    return %c0_i32, %add3A_0 : i32, i32
  }
  func.func @transform_3(%arg0: i32, %arg1: i32) -> (i32, i32) {
    %c0_i32 = arith.constant 0 : i32
    return %arg1, %arg0 : i32, i32
  }
}

module attributes {stable_mosaic.version = 14 : i64} {
  func.func @_qkv_body(%arg0: i32, %arg1: memref<2048x1024xf32, #tpu.memory_space<vmem>>, %arg2: memref<1024x512xf32, #tpu.memory_space<vmem>>, %arg3: memref<2048x512xf32, #tpu.memory_space<vmem>>) attributes {dimension_semantics = [#tpu.dimension_semantics<arbitrary>], iteration_bounds = array<i64: 6>, scalar_prefetch = 0 : i64, scratch_operands = 0 : i64, tpu.core_type = #tpu.core_type<tc>, window_params = [{pipeline_mode = #tpu.pipeline_mode<synchronous>, transform_indices = @transform_0, window_bounds = array<i64: 2048, 1024>}, {transform_indices = @transform_1, window_bounds = array<i64: 1024, 512>}, {transform_indices = @transform_2, window_bounds = array<i64: 2048, 512>}]} {
    %get3A = arith.constant 0 : index
    %get3A_0 = arith.constant 0 : index
    %get3A_1 = vector.load %arg1[%get3A, %get3A_0] : memref<2048x1024xf32, #tpu.memory_space<vmem>>, vector<2048x1024xf32>
    %get3A_2 = arith.constant 0 : index
    %get3A_3 = arith.constant 0 : index
    %get3A_4 = vector.load %arg2[%get3A_2, %get3A_3] : memref<1024x512xf32, #tpu.memory_space<vmem>>, vector<1024x512xf32>
    %dot_general3A = arith.constant dense<0.000000e+00> : vector<2048x512xf32>
    %dot_general3A_5 = tpu.matmul %get3A_1, %get3A_4, %dot_general3A {dimension_numbers = #tpu.dot_dimension_numbers<[1], [0], [0], [1], [0, 0, 1, 1], [], []>, transpose_lhs_hint = false} : vector<2048x1024xf32>, vector<1024x512xf32>, vector<2048x512xf32> -> vector<2048x512xf32>
    %swap3A = arith.constant 0 : index
    %swap3A_6 = arith.constant 0 : index
    %swap3A_7 = vector.load %arg3[%swap3A, %swap3A_6] : memref<2048x512xf32, #tpu.memory_space<vmem>>, vector<2048x512xf32>
    tpu.vector_store %arg3[%swap3A, %swap3A_6], %dot_general3A_5 {strides = array<i32>} : memref<2048x512xf32, #tpu.memory_space<vmem>>, vector<2048x512xf32>,
    return
  }
  func.func @transform_0(%arg0: i32) -> (i32, i32) {
    %c0_i32 = arith.constant 0 : i32
    %c0_i32_0 = arith.constant 0 : i32
    %c0_i32_1 = arith.constant 0 : i32
    return %c0_i32, %c0_i32_0 : i32, i32
  }
  func.func @transform_1(%arg0: i32) -> (i32, i32) {
    %c0_i32 = arith.constant 0 : i32
    %c0_i32_0 = arith.constant 0 : i32
    return %c0_i32, %arg0 : i32, i32
  }
  func.func @transform_2(%arg0: i32) -> (i32, i32) {
    %c0_i32 = arith.constant 0 : i32
    %c0_i32_0 = arith.constant 0 : i32
    return %c0_i32, %arg0 : i32, i32
  }
}

module attributes {stable_mosaic.version = 14 : i64} {
  func.func @_proj_body(%arg0: i32, %arg1: memref<256x1024xf32, #tpu.memory_space<vmem>>, %arg2: memref<1024x1024xf32, #tpu.memory_space<vmem>>, %arg3: memref<256x1024xf32, #tpu.memory_space<vmem>>, %arg4: memref<256x1024xf32, #tpu.memory_space<vmem>>) attributes {dimension_semantics = [#tpu.dimension_semantics<arbitrary>], iteration_bounds = array<i64: 8>, scalar_prefetch = 0 : i64, scratch_operands = 0 : i64, tpu.core_type = #tpu.core_type<tc>, window_params = [{transform_indices = @transform_0, window_bounds = array<i64: 256, 1024>}, {pipeline_mode = #tpu.pipeline_mode<synchronous>, transform_indices = @transform_1, window_bounds = array<i64: 1024, 1024>}, {transform_indices = @transform_2, window_bounds = array<i64: 256, 1024>}, {transform_indices = @transform_3, window_bounds = array<i64: 256, 1024>}]} {
    %get3A = arith.constant 0 : index
    %get3A_0 = arith.constant 0 : index
    %get3A_1 = vector.load %arg1[%get3A, %get3A_0] : memref<256x1024xf32, #tpu.memory_space<vmem>>, vector<256x1024xf32>
    %get3A_2 = arith.constant 0 : index
    %get3A_3 = arith.constant 0 : index
    %get3A_4 = vector.load %arg2[%get3A_2, %get3A_3] : memref<1024x1024xf32, #tpu.memory_space<vmem>>, vector<1024x1024xf32>
    %dot_general3A = arith.constant dense<0.000000e+00> : vector<256x1024xf32>
    %dot_general3A_5 = tpu.matmul %get3A_1, %get3A_4, %dot_general3A {dimension_numbers = #tpu.dot_dimension_numbers<[1], [0], [0], [1], [0, 0, 1, 1], [], []>, transpose_lhs_hint = false} : vector<256x1024xf32>, vector<1024x1024xf32>, vector<256x1024xf32> -> vector<256x1024xf32>
    %get3A_6 = arith.constant 0 : index
    %get3A_7 = arith.constant 0 : index
    %get3A_8 = vector.load %arg3[%get3A_6, %get3A_7] : memref<256x1024xf32, #tpu.memory_space<vmem>>, vector<256x1024xf32>
    %add3A = arith.addf %dot_general3A_5, %get3A_8 : vector<256x1024xf32>
    %swap3A = arith.constant 0 : index
    %swap3A_9 = arith.constant 0 : index
    %swap3A_10 = vector.load %arg4[%swap3A, %swap3A_9] : memref<256x1024xf32, #tpu.memory_space<vmem>>, vector<256x1024xf32>
    tpu.vector_store %arg4[%swap3A, %swap3A_9], %add3A {strides = array<i32>} : memref<256x1024xf32, #tpu.memory_space<vmem>>, vector<256x1024xf32>,
    return
  }
  func.func @transform_0(%arg0: i32) -> (i32, i32) {
    %c0_i32 = arith.constant 0 : i32
    %c0_i32_0 = arith.constant 0 : i32
    return %arg0, %c0_i32 : i32, i32
  }
  func.func @transform_1(%arg0: i32) -> (i32, i32) {
    %c0_i32 = arith.constant 0 : i32
    %c0_i32_0 = arith.constant 0 : i32
    %c0_i32_1 = arith.constant 0 : i32
    return %c0_i32, %c0_i32_0 : i32, i32
  }
  func.func @transform_2(%arg0: i32) -> (i32, i32) {
    %c0_i32 = arith.constant 0 : i32
    %c0_i32_0 = arith.constant 0 : i32
    return %arg0, %c0_i32 : i32, i32
  }
  func.func @transform_3(%arg0: i32) -> (i32, i32) {
    %c0_i32 = arith.constant 0 : i32
    %c0_i32_0 = arith.constant 0 : i32
    return %arg0, %c0_i32 : i32, i32
  }
}

module attributes {stable_mosaic.version = 14 : i64} {
  func.func @_gate_body(%arg0: i32, %arg1: memref<2048x1024xf32, #tpu.memory_space<vmem>>, %arg2: memref<1024x128xf32, #tpu.memory_space<vmem>>, %arg3: memref<1x1024xf32, #tpu.memory_space<vmem>>, %arg4: memref<1x1024xf32, #tpu.memory_space<vmem>>, %arg5: memref<2048x1024xf32, #tpu.memory_space<vmem>>, %arg6: memref<2048x128xf32, #tpu.memory_space<vmem>>, %arg7: memref<2048x128xi32, #tpu.memory_space<vmem>>, %arg8: memref<1x128xi32, #tpu.memory_space<vmem>>) attributes {dimension_semantics = [#tpu.dimension_semantics<arbitrary>], iteration_bounds = array<i64: 1>, scalar_prefetch = 0 : i64, scratch_operands = 0 : i64, tpu.core_type = #tpu.core_type<tc>, window_params = [{pipeline_mode = #tpu.pipeline_mode<synchronous>, transform_indices = @transform_0, window_bounds = array<i64: 2048, 1024>}, {pipeline_mode = #tpu.pipeline_mode<synchronous>, transform_indices = @transform_1, window_bounds = array<i64: 1024, 128>}, {pipeline_mode = #tpu.pipeline_mode<synchronous>, transform_indices = @transform_2, window_bounds = array<i64: 1, 1024>}, {pipeline_mode = #tpu.pipeline_mode<synchronous>, transform_indices = @transform_3, window_bounds = array<i64: 1, 1024>}, {pipeline_mode = #tpu.pipeline_mode<synchronous>, transform_indices = @transform_4, window_bounds = array<i64: 2048, 1024>}, {pipeline_mode = #tpu.pipeline_mode<synchronous>, transform_indices = @transform_5, window_bounds = array<i64: 2048, 128>}, {pipeline_mode = #tpu.pipeline_mode<synchronous>, transform_indices = @transform_6, window_bounds = array<i64: 2048, 128>}, {pipeline_mode = #tpu.pipeline_mode<synchronous>, transform_indices = @transform_7, window_bounds = array<i64: 1, 128>}]} {
    %get3A = arith.constant 0 : index
    %get3A_0 = arith.constant 0 : index
    %get3A_1 = vector.load %arg1[%get3A, %get3A_0] : memref<2048x1024xf32, #tpu.memory_space<vmem>>, vector<2048x1024xf32>
    %reduce_sum3A = arith.constant dense<0.000000e+00> : vector<1024xf32>
    %reduce_sum3A_2 = vector.multi_reduction <add>, %get3A_1, %reduce_sum3A [0] : vector<2048x1024xf32> to vector<1024xf32>
    %broadcast_in_dim3A = vector.shape_cast %reduce_sum3A_2 : vector<1024xf32> to vector<1x1024xf32>
    %div3A = arith.constant 2.048000e+03 : f32
    %div3A_3 = vector.broadcast %div3A : f32 to vector<1x1024xf32>
    %div3A_4 = arith.divf %broadcast_in_dim3A, %div3A_3 : vector<1x1024xf32>
    %sub3A = vector.broadcast %div3A_4 : vector<1x1024xf32> to vector<2048x1024xf32>
    %sub3A_5 = arith.subf %get3A_1, %sub3A : vector<2048x1024xf32>
    %integer_pow3A = arith.mulf %sub3A_5, %sub3A_5 : vector<2048x1024xf32>
    %reduce_sum3A_6 = arith.constant dense<0.000000e+00> : vector<1024xf32>
    %reduce_sum3A_7 = vector.multi_reduction <add>, %integer_pow3A, %reduce_sum3A_6 [0] : vector<2048x1024xf32> to vector<1024xf32>
    %broadcast_in_dim3A_8 = vector.shape_cast %reduce_sum3A_7 : vector<1024xf32> to vector<1x1024xf32>
    %div3A_9 = arith.constant 2.048000e+03 : f32
    %div3A_10 = vector.broadcast %div3A_9 : f32 to vector<1x1024xf32>
    %div3A_11 = arith.divf %broadcast_in_dim3A_8, %div3A_10 : vector<1x1024xf32>
    %sub3A_12 = vector.broadcast %div3A_4 : vector<1x1024xf32> to vector<2048x1024xf32>
    %sub3A_13 = arith.subf %get3A_1, %sub3A_12 : vector<2048x1024xf32>
    %add3A = arith.constant 9.99999974E-6 : f32
    %add3A_14 = vector.broadcast %add3A : f32 to vector<1x1024xf32>
    %add3A_15 = arith.addf %div3A_11, %add3A_14 : vector<1x1024xf32>
    %rsqrt3A = math.rsqrt %add3A_15 : vector<1x1024xf32>
    %mul3A = vector.broadcast %rsqrt3A : vector<1x1024xf32> to vector<2048x1024xf32>
    %mul3A_16 = arith.mulf %sub3A_13, %mul3A : vector<2048x1024xf32>
    %get3A_17 = arith.constant 0 : index
    %get3A_18 = arith.constant 0 : index
    %get3A_19 = vector.load %arg3[%get3A_17, %get3A_18] : memref<1x1024xf32, #tpu.memory_space<vmem>>, vector<1x1024xf32>
    %mul3A_20 = vector.broadcast %get3A_19 : vector<1x1024xf32> to vector<2048x1024xf32>
    %mul3A_21 = arith.mulf %mul3A_16, %mul3A_20 : vector<2048x1024xf32>
    %get3A_22 = arith.constant 0 : index
    %get3A_23 = arith.constant 0 : index
    %get3A_24 = vector.load %arg4[%get3A_22, %get3A_23] : memref<1x1024xf32, #tpu.memory_space<vmem>>, vector<1x1024xf32>
    %add3A_25 = vector.broadcast %get3A_24 : vector<1x1024xf32> to vector<2048x1024xf32>
    %add3A_26 = arith.addf %mul3A_21, %add3A_25 : vector<2048x1024xf32>
    %swap3A = arith.constant 0 : index
    %swap3A_27 = arith.constant 0 : index
    %swap3A_28 = vector.load %arg5[%swap3A, %swap3A_27] : memref<2048x1024xf32, #tpu.memory_space<vmem>>, vector<2048x1024xf32>
    tpu.vector_store %arg5[%swap3A, %swap3A_27], %add3A_26 {strides = array<i32>} : memref<2048x1024xf32, #tpu.memory_space<vmem>>, vector<2048x1024xf32>,
    %get3A_29 = arith.constant 0 : index
    %get3A_30 = arith.constant 0 : index
    %get3A_31 = vector.load %arg2[%get3A_29, %get3A_30] : memref<1024x128xf32, #tpu.memory_space<vmem>>, vector<1024x128xf32>
    %dot_general3A = arith.constant dense<0.000000e+00> : vector<2048x128xf32>
    %dot_general3A_32 = tpu.matmul %add3A_26, %get3A_31, %dot_general3A {dimension_numbers = #tpu.dot_dimension_numbers<[1], [0], [0], [1], [0, 0, 1, 1], [], []>, transpose_lhs_hint = false} : vector<2048x1024xf32>, vector<1024x128xf32>, vector<2048x128xf32> -> vector<2048x128xf32>
    %slice3A = vector.extract_strided_slice %dot_general3A_32 {offsets = [0, 0], sizes = [2048, 8], strides = [1, 1]} : vector<2048x128xf32> to vector<2048x8xf32>
    %iota3A = tpu.iota {dimensions = array<i32: 1>} : vector<2048x8xi32>
    %reduce_max3A = arith.constant dense<0xFF800000> : vector<2048xf32>
    %reduce_max3A_33 = vector.multi_reduction <maximumf>, %slice3A, %reduce_max3A [1] : vector<2048x8xf32> to vector<2048xf32>
    %broadcast_in_dim3A_34 = vector.shape_cast %reduce_max3A_33 : vector<2048xf32> to vector<2048x1xf32>
    %eq3A = vector.broadcast %broadcast_in_dim3A_34 : vector<2048x1xf32> to vector<2048x8xf32>
    %eq3A_35 = arith.cmpf oeq, %slice3A, %eq3A : vector<2048x8xf32>
    %jit3A = arith.constant 8 : i32
    %broadcast_in_dim3A_36 = vector.broadcast %jit3A : i32 to vector<2048x8xi32>
    %select_n3A = arith.select %eq3A_35, %iota3A, %broadcast_in_dim3A_36 : vector<2048x8xi1>, vector<2048x8xi32>
    %reduce_min3A = arith.constant dense<2147483647> : vector<2048xi32>
    %reduce_min3A_37 = vector.multi_reduction <minsi>, %select_n3A, %reduce_min3A [1] : vector<2048x8xi32> to vector<2048xi32>
    %broadcast_in_dim3A_38 = vector.shape_cast %reduce_min3A_37 : vector<2048xi32> to vector<2048x1xi32>
    %eq3A_39 = vector.broadcast %broadcast_in_dim3A_38 : vector<2048x1xi32> to vector<2048x8xi32>
    %eq3A_40 = arith.cmpi eq, %iota3A, %eq3A_39 : vector<2048x8xi32>
    %jit3A_41 = arith.constant 0xFF800000 : f32
    %broadcast_in_dim3A_42 = vector.broadcast %jit3A_41 : f32 to vector<2048x8xf32>
    %select_n3A_43 = arith.select %eq3A_40, %broadcast_in_dim3A_42, %slice3A : vector<2048x8xi1>, vector<2048x8xf32>
    %reduce_max3A_44 = arith.constant dense<0xFF800000> : vector<2048xf32>
    %reduce_max3A_45 = vector.multi_reduction <maximumf>, %select_n3A_43, %reduce_max3A_44 [1] : vector<2048x8xf32> to vector<2048xf32>
    %broadcast_in_dim3A_46 = vector.shape_cast %reduce_max3A_45 : vector<2048xf32> to vector<2048x1xf32>
    %eq3A_47 = vector.broadcast %broadcast_in_dim3A_46 : vector<2048x1xf32> to vector<2048x8xf32>
    %eq3A_48 = arith.cmpf oeq, %select_n3A_43, %eq3A_47 : vector<2048x8xf32>
    %jit3A_49 = arith.constant 8 : i32
    %broadcast_in_dim3A_50 = vector.broadcast %jit3A_49 : i32 to vector<2048x8xi32>
    %select_n3A_51 = arith.select %eq3A_48, %iota3A, %broadcast_in_dim3A_50 : vector<2048x8xi1>, vector<2048x8xi32>
    %reduce_min3A_52 = arith.constant dense<2147483647> : vector<2048xi32>
    %reduce_min3A_53 = vector.multi_reduction <minsi>, %select_n3A_51, %reduce_min3A_52 [1] : vector<2048x8xi32> to vector<2048xi32>
    %broadcast_in_dim3A_54 = vector.shape_cast %reduce_min3A_53 : vector<2048xi32> to vector<2048x1xi32>
    %eq3A_55 = vector.broadcast %broadcast_in_dim3A_54 : vector<2048x1xi32> to vector<2048x8xi32>
    %eq3A_56 = arith.cmpi eq, %iota3A, %eq3A_55 : vector<2048x8xi32>
    %sub3A_57 = arith.subf %broadcast_in_dim3A_46, %broadcast_in_dim3A_34 : vector<2048x1xf32>
    %exp3A = math.exp %sub3A_57 : vector<2048x1xf32>
    %add3A_58 = arith.constant 1.000000e+00 : f32
    %add3A_59 = vector.broadcast %add3A_58 : f32 to vector<2048x1xf32>
    %add3A_60 = arith.addf %add3A_59, %exp3A : vector<2048x1xf32>
    %div3A_61 = arith.constant 1.000000e+00 : f32
    %div3A_62 = vector.broadcast %div3A_61 : f32 to vector<2048x1xf32>
    %div3A_63 = arith.divf %div3A_62, %add3A_60 : vector<2048x1xf32>
    %mul3A_64 = arith.mulf %exp3A, %div3A_63 : vector<2048x1xf32>
    %convert_element_type3A = arith.extui %eq3A_40 : vector<2048x8xi1> to vector<2048x8xi32>
    %convert_element_type3A_65 = arith.sitofp %convert_element_type3A : vector<2048x8xi32> to vector<2048x8xf32>
    %convert_element_type3A_66 = arith.extui %eq3A_56 : vector<2048x8xi1> to vector<2048x8xi32>
    %convert_element_type3A_67 = arith.sitofp %convert_element_type3A_66 : vector<2048x8xi32> to vector<2048x8xf32>
    %iota3A_68 = tpu.iota {dimensions = array<i32: 1>} : vector<2048x128xi32>
    %jit3A_69 = arith.constant 0 : i32
    %convert_element_type3A_70 = arith.sitofp %jit3A_69 : i32 to f32
    %pad3A = vector.broadcast %convert_element_type3A_70 : f32 to vector<2048x120xf32>
    %pad3A_71 = tpu.concatenate %convert_element_type3A_65, %pad3A in 1 : vector<2048x8xf32>, vector<2048x120xf32> -> vector<2048x128xf32>
    %ge3A = arith.constant 8 : i32
    %ge3A_72 = vector.broadcast %ge3A : i32 to vector<2048x128xi32>
    %ge3A_73 = arith.cmpi sge, %iota3A_68, %ge3A_72 : vector<2048x128xi32>
    %lt3A = arith.constant 16 : i32
    %lt3A_74 = vector.broadcast %lt3A : i32 to vector<2048x128xi32>
    %lt3A_75 = arith.cmpi slt, %iota3A_68, %lt3A_74 : vector<2048x128xi32>
    %and3A = arith.andi %ge3A_73, %lt3A_75 : vector<2048x128xi1>
    %jit3A_76 = arith.constant 0 : i32
    %convert_element_type3A_77 = arith.sitofp %jit3A_76 : i32 to f32
    %pad3A_78 = vector.broadcast %convert_element_type3A_77 : f32 to vector<2048x8xf32>
    %pad3A_79 = tpu.concatenate %pad3A_78, %convert_element_type3A_67 in 1 : vector<2048x8xf32>, vector<2048x8xf32> -> vector<2048x16xf32>
    %pad3A_80 = vector.broadcast %convert_element_type3A_77 : f32 to vector<2048x112xf32>
    %pad3A_81 = tpu.concatenate %pad3A_79, %pad3A_80 in 1 : vector<2048x16xf32>, vector<2048x112xf32> -> vector<2048x128xf32>
    %jit3A_82 = arith.constant 0.000000e+00 : f32
    %broadcast_in_dim3A_83 = vector.broadcast %jit3A_82 : f32 to vector<2048x128xf32>
    %select_n3A_84 = arith.select %and3A, %pad3A_81, %broadcast_in_dim3A_83 : vector<2048x128xi1>, vector<2048x128xf32>
    %add3A_85 = arith.addf %pad3A_71, %select_n3A_84 : vector<2048x128xf32>
    %iota3A_86 = tpu.iota {dimensions = array<i32: 0>} : vector<128x128xi32>
    %iota3A_87 = tpu.iota {dimensions = array<i32: 1>} : vector<128x128xi32>
    %lt3A_88 = arith.cmpi slt, %iota3A_87, %iota3A_86 : vector<128x128xi32>
    %convert_element_type3A_89 = arith.extui %lt3A_88 : vector<128x128xi1> to vector<128x128xi32>
    %convert_element_type3A_90 = arith.sitofp %convert_element_type3A_89 : vector<128x128xi32> to vector<128x128xf32>
    %broadcast_in_dim3A_91 = arith.constant 0.000000e+00 : f32
    %broadcast_in_dim3A_92 = vector.broadcast %broadcast_in_dim3A_91 : f32 to vector<1x128xf32>
    %slice3A_93 = vector.extract_strided_slice %add3A_85 {offsets = [0, 0], sizes = [128, 128], strides = [1, 1]} : vector<2048x128xf32> to vector<128x128xf32>
    %dot_general3A_94 = arith.constant dense<0.000000e+00> : vector<128x128xf32>
    %dot_general3A_95 = tpu.matmul %convert_element_type3A_90, %slice3A_93, %dot_general3A_94 {dimension_numbers = #tpu.dot_dimension_numbers<[1], [0], [0], [1], [0, 0, 1, 1], [], []>, transpose_lhs_hint = false} : vector<128x128xf32>, vector<128x128xf32>, vector<128x128xf32> -> vector<128x128xf32>
    %add3A_96 = vector.broadcast %broadcast_in_dim3A_92 : vector<1x128xf32> to vector<128x128xf32>
    %add3A_97 = arith.addf %dot_general3A_95, %add3A_96 : vector<128x128xf32>
    %reduce_sum3A_98 = arith.constant dense<0.000000e+00> : vector<128xf32>
    %reduce_sum3A_99 = vector.multi_reduction <add>, %slice3A_93, %reduce_sum3A_98 [0] : vector<128x128xf32> to vector<128xf32>
    %broadcast_in_dim3A_100 = vector.shape_cast %reduce_sum3A_99 : vector<128xf32> to vector<1x128xf32>
    %add3A_101 = arith.addf %broadcast_in_dim3A_92, %broadcast_in_dim3A_100 : vector<1x128xf32>
    %slice3A_102 = vector.extract_strided_slice %add3A_85 {offsets = [128, 0], sizes = [128, 128], strides = [1, 1]} : vector<2048x128xf32> to vector<128x128xf32>
    %dot_general3A_103 = arith.constant dense<0.000000e+00> : vector<128x128xf32>
    %dot_general3A_104 = tpu.matmul %convert_element_type3A_90, %slice3A_102, %dot_general3A_103 {dimension_numbers = #tpu.dot_dimension_numbers<[1], [0], [0], [1], [0, 0, 1, 1], [], []>, transpose_lhs_hint = false} : vector<128x128xf32>, vector<128x128xf32>, vector<128x128xf32> -> vector<128x128xf32>
    %add3A_105 = vector.broadcast %add3A_101 : vector<1x128xf32> to vector<128x128xf32>
    %add3A_106 = arith.addf %dot_general3A_104, %add3A_105 : vector<128x128xf32>
    %reduce_sum3A_107 = arith.constant dense<0.000000e+00> : vector<128xf32>
    %reduce_sum3A_108 = vector.multi_reduction <add>, %slice3A_102, %reduce_sum3A_107 [0] : vector<128x128xf32> to vector<128xf32>
    %broadcast_in_dim3A_109 = vector.shape_cast %reduce_sum3A_108 : vector<128xf32> to vector<1x128xf32>
    %add3A_110 = arith.addf %add3A_101, %broadcast_in_dim3A_109 : vector<1x128xf32>
    %slice3A_111 = vector.extract_strided_slice %add3A_85 {offsets = [256, 0], sizes = [128, 128], strides = [1, 1]} : vector<2048x128xf32> to vector<128x128xf32>
    %dot_general3A_112 = arith.constant dense<0.000000e+00> : vector<128x128xf32>
    %dot_general3A_113 = tpu.matmul %convert_element_type3A_90, %slice3A_111, %dot_general3A_112 {dimension_numbers = #tpu.dot_dimension_numbers<[1], [0], [0], [1], [0, 0, 1, 1], [], []>, transpose_lhs_hint = false} : vector<128x128xf32>, vector<128x128xf32>, vector<128x128xf32> -> vector<128x128xf32>
    %add3A_114 = vector.broadcast %add3A_110 : vector<1x128xf32> to vector<128x128xf32>
    %add3A_115 = arith.addf %dot_general3A_113, %add3A_114 : vector<128x128xf32>
    %reduce_sum3A_116 = arith.constant dense<0.000000e+00> : vector<128xf32>
    %reduce_sum3A_117 = vector.multi_reduction <add>, %slice3A_111, %reduce_sum3A_116 [0] : vector<128x128xf32> to vector<128xf32>
    %broadcast_in_dim3A_118 = vector.shape_cast %reduce_sum3A_117 : vector<128xf32> to vector<1x128xf32>
    %add3A_119 = arith.addf %add3A_110, %broadcast_in_dim3A_118 : vector<1x128xf32>
    %slice3A_120 = vector.extract_strided_slice %add3A_85 {offsets = [384, 0], sizes = [128, 128], strides = [1, 1]} : vector<2048x128xf32> to vector<128x128xf32>
    %dot_general3A_121 = arith.constant dense<0.000000e+00> : vector<128x128xf32>
    %dot_general3A_122 = tpu.matmul %convert_element_type3A_90, %slice3A_120, %dot_general3A_121 {dimension_numbers = #tpu.dot_dimension_numbers<[1], [0], [0], [1], [0, 0, 1, 1], [], []>, transpose_lhs_hint = false} : vector<128x128xf32>, vector<128x128xf32>, vector<128x128xf32> -> vector<128x128xf32>
    %add3A_123 = vector.broadcast %add3A_119 : vector<1x128xf32> to vector<128x128xf32>
    %add3A_124 = arith.addf %dot_general3A_122, %add3A_123 : vector<128x128xf32>
    %reduce_sum3A_125 = arith.constant dense<0.000000e+00> : vector<128xf32>
    %reduce_sum3A_126 = vector.multi_reduction <add>, %slice3A_120, %reduce_sum3A_125 [0] : vector<128x128xf32> to vector<128xf32>
    %broadcast_in_dim3A_127 = vector.shape_cast %reduce_sum3A_126 : vector<128xf32> to vector<1x128xf32>
    %add3A_128 = arith.addf %add3A_119, %broadcast_in_dim3A_127 : vector<1x128xf32>
    %slice3A_129 = vector.extract_strided_slice %add3A_85 {offsets = [512, 0], sizes = [128, 128], strides = [1, 1]} : vector<2048x128xf32> to vector<128x128xf32>
    %dot_general3A_130 = arith.constant dense<0.000000e+00> : vector<128x128xf32>
    %dot_general3A_131 = tpu.matmul %convert_element_type3A_90, %slice3A_129, %dot_general3A_130 {dimension_numbers = #tpu.dot_dimension_numbers<[1], [0], [0], [1], [0, 0, 1, 1], [], []>, transpose_lhs_hint = false} : vector<128x128xf32>, vector<128x128xf32>, vector<128x128xf32> -> vector<128x128xf32>
    %add3A_132 = vector.broadcast %add3A_128 : vector<1x128xf32> to vector<128x128xf32>
    %add3A_133 = arith.addf %dot_general3A_131, %add3A_132 : vector<128x128xf32>
    %reduce_sum3A_134 = arith.constant dense<0.000000e+00> : vector<128xf32>
    %reduce_sum3A_135 = vector.multi_reduction <add>, %slice3A_129, %reduce_sum3A_134 [0] : vector<128x128xf32> to vector<128xf32>
    %broadcast_in_dim3A_136 = vector.shape_cast %reduce_sum3A_135 : vector<128xf32> to vector<1x128xf32>
    %add3A_137 = arith.addf %add3A_128, %broadcast_in_dim3A_136 : vector<1x128xf32>
    %slice3A_138 = vector.extract_strided_slice %add3A_85 {offsets = [640, 0], sizes = [128, 128], strides = [1, 1]} : vector<2048x128xf32> to vector<128x128xf32>
    %dot_general3A_139 = arith.constant dense<0.000000e+00> : vector<128x128xf32>
    %dot_general3A_140 = tpu.matmul %convert_element_type3A_90, %slice3A_138, %dot_general3A_139 {dimension_numbers = #tpu.dot_dimension_numbers<[1], [0], [0], [1], [0, 0, 1, 1], [], []>, transpose_lhs_hint = false} : vector<128x128xf32>, vector<128x128xf32>, vector<128x128xf32> -> vector<128x128xf32>
    %add3A_141 = vector.broadcast %add3A_137 : vector<1x128xf32> to vector<128x128xf32>
    %add3A_142 = arith.addf %dot_general3A_140, %add3A_141 : vector<128x128xf32>
    %reduce_sum3A_143 = arith.constant dense<0.000000e+00> : vector<128xf32>
    %reduce_sum3A_144 = vector.multi_reduction <add>, %slice3A_138, %reduce_sum3A_143 [0] : vector<128x128xf32> to vector<128xf32>
    %broadcast_in_dim3A_145 = vector.shape_cast %reduce_sum3A_144 : vector<128xf32> to vector<1x128xf32>
    %add3A_146 = arith.addf %add3A_137, %broadcast_in_dim3A_145 : vector<1x128xf32>
    %slice3A_147 = vector.extract_strided_slice %add3A_85 {offsets = [768, 0], sizes = [128, 128], strides = [1, 1]} : vector<2048x128xf32> to vector<128x128xf32>
    %dot_general3A_148 = arith.constant dense<0.000000e+00> : vector<128x128xf32>
    %dot_general3A_149 = tpu.matmul %convert_element_type3A_90, %slice3A_147, %dot_general3A_148 {dimension_numbers = #tpu.dot_dimension_numbers<[1], [0], [0], [1], [0, 0, 1, 1], [], []>, transpose_lhs_hint = false} : vector<128x128xf32>, vector<128x128xf32>, vector<128x128xf32> -> vector<128x128xf32>
    %add3A_150 = vector.broadcast %add3A_146 : vector<1x128xf32> to vector<128x128xf32>
    %add3A_151 = arith.addf %dot_general3A_149, %add3A_150 : vector<128x128xf32>
    %reduce_sum3A_152 = arith.constant dense<0.000000e+00> : vector<128xf32>
    %reduce_sum3A_153 = vector.multi_reduction <add>, %slice3A_147, %reduce_sum3A_152 [0] : vector<128x128xf32> to vector<128xf32>
    %broadcast_in_dim3A_154 = vector.shape_cast %reduce_sum3A_153 : vector<128xf32> to vector<1x128xf32>
    %add3A_155 = arith.addf %add3A_146, %broadcast_in_dim3A_154 : vector<1x128xf32>
    %slice3A_156 = vector.extract_strided_slice %add3A_85 {offsets = [896, 0], sizes = [128, 128], strides = [1, 1]} : vector<2048x128xf32> to vector<128x128xf32>
    %dot_general3A_157 = arith.constant dense<0.000000e+00> : vector<128x128xf32>
    %dot_general3A_158 = tpu.matmul %convert_element_type3A_90, %slice3A_156, %dot_general3A_157 {dimension_numbers = #tpu.dot_dimension_numbers<[1], [0], [0], [1], [0, 0, 1, 1], [], []>, transpose_lhs_hint = false} : vector<128x128xf32>, vector<128x128xf32>, vector<128x128xf32> -> vector<128x128xf32>
    %add3A_159 = vector.broadcast %add3A_155 : vector<1x128xf32> to vector<128x128xf32>
    %add3A_160 = arith.addf %dot_general3A_158, %add3A_159 : vector<128x128xf32>
    %reduce_sum3A_161 = arith.constant dense<0.000000e+00> : vector<128xf32>
    %reduce_sum3A_162 = vector.multi_reduction <add>, %slice3A_156, %reduce_sum3A_161 [0] : vector<128x128xf32> to vector<128xf32>
    %broadcast_in_dim3A_163 = vector.shape_cast %reduce_sum3A_162 : vector<128xf32> to vector<1x128xf32>
    %add3A_164 = arith.addf %add3A_155, %broadcast_in_dim3A_163 : vector<1x128xf32>
    %slice3A_165 = vector.extract_strided_slice %add3A_85 {offsets = [1024, 0], sizes = [128, 128], strides = [1, 1]} : vector<2048x128xf32> to vector<128x128xf32>
    %dot_general3A_166 = arith.constant dense<0.000000e+00> : vector<128x128xf32>
    %dot_general3A_167 = tpu.matmul %convert_element_type3A_90, %slice3A_165, %dot_general3A_166 {dimension_numbers = #tpu.dot_dimension_numbers<[1], [0], [0], [1], [0, 0, 1, 1], [], []>, transpose_lhs_hint = false} : vector<128x128xf32>, vector<128x128xf32>, vector<128x128xf32> -> vector<128x128xf32>
    %add3A_168 = vector.broadcast %add3A_164 : vector<1x128xf32> to vector<128x128xf32>
    %add3A_169 = arith.addf %dot_general3A_167, %add3A_168 : vector<128x128xf32>
    %reduce_sum3A_170 = arith.constant dense<0.000000e+00> : vector<128xf32>
    %reduce_sum3A_171 = vector.multi_reduction <add>, %slice3A_165, %reduce_sum3A_170 [0] : vector<128x128xf32> to vector<128xf32>
    %broadcast_in_dim3A_172 = vector.shape_cast %reduce_sum3A_171 : vector<128xf32> to vector<1x128xf32>
    %add3A_173 = arith.addf %add3A_164, %broadcast_in_dim3A_172 : vector<1x128xf32>
    %slice3A_174 = vector.extract_strided_slice %add3A_85 {offsets = [1152, 0], sizes = [128, 128], strides = [1, 1]} : vector<2048x128xf32> to vector<128x128xf32>
    %dot_general3A_175 = arith.constant dense<0.000000e+00> : vector<128x128xf32>
    %dot_general3A_176 = tpu.matmul %convert_element_type3A_90, %slice3A_174, %dot_general3A_175 {dimension_numbers = #tpu.dot_dimension_numbers<[1], [0], [0], [1], [0, 0, 1, 1], [], []>, transpose_lhs_hint = false} : vector<128x128xf32>, vector<128x128xf32>, vector<128x128xf32> -> vector<128x128xf32>
    %add3A_177 = vector.broadcast %add3A_173 : vector<1x128xf32> to vector<128x128xf32>
    %add3A_178 = arith.addf %dot_general3A_176, %add3A_177 : vector<128x128xf32>
    %reduce_sum3A_179 = arith.constant dense<0.000000e+00> : vector<128xf32>
    %reduce_sum3A_180 = vector.multi_reduction <add>, %slice3A_174, %reduce_sum3A_179 [0] : vector<128x128xf32> to vector<128xf32>
    %broadcast_in_dim3A_181 = vector.shape_cast %reduce_sum3A_180 : vector<128xf32> to vector<1x128xf32>
    %add3A_182 = arith.addf %add3A_173, %broadcast_in_dim3A_181 : vector<1x128xf32>
    %slice3A_183 = vector.extract_strided_slice %add3A_85 {offsets = [1280, 0], sizes = [128, 128], strides = [1, 1]} : vector<2048x128xf32> to vector<128x128xf32>
    %dot_general3A_184 = arith.constant dense<0.000000e+00> : vector<128x128xf32>
    %dot_general3A_185 = tpu.matmul %convert_element_type3A_90, %slice3A_183, %dot_general3A_184 {dimension_numbers = #tpu.dot_dimension_numbers<[1], [0], [0], [1], [0, 0, 1, 1], [], []>, transpose_lhs_hint = false} : vector<128x128xf32>, vector<128x128xf32>, vector<128x128xf32> -> vector<128x128xf32>
    %add3A_186 = vector.broadcast %add3A_182 : vector<1x128xf32> to vector<128x128xf32>
    %add3A_187 = arith.addf %dot_general3A_185, %add3A_186 : vector<128x128xf32>
    %reduce_sum3A_188 = arith.constant dense<0.000000e+00> : vector<128xf32>
    %reduce_sum3A_189 = vector.multi_reduction <add>, %slice3A_183, %reduce_sum3A_188 [0] : vector<128x128xf32> to vector<128xf32>
    %broadcast_in_dim3A_190 = vector.shape_cast %reduce_sum3A_189 : vector<128xf32> to vector<1x128xf32>
    %add3A_191 = arith.addf %add3A_182, %broadcast_in_dim3A_190 : vector<1x128xf32>
    %slice3A_192 = vector.extract_strided_slice %add3A_85 {offsets = [1408, 0], sizes = [128, 128], strides = [1, 1]} : vector<2048x128xf32> to vector<128x128xf32>
    %dot_general3A_193 = arith.constant dense<0.000000e+00> : vector<128x128xf32>
    %dot_general3A_194 = tpu.matmul %convert_element_type3A_90, %slice3A_192, %dot_general3A_193 {dimension_numbers = #tpu.dot_dimension_numbers<[1], [0], [0], [1], [0, 0, 1, 1], [], []>, transpose_lhs_hint = false} : vector<128x128xf32>, vector<128x128xf32>, vector<128x128xf32> -> vector<128x128xf32>
    %add3A_195 = vector.broadcast %add3A_191 : vector<1x128xf32> to vector<128x128xf32>
    %add3A_196 = arith.addf %dot_general3A_194, %add3A_195 : vector<128x128xf32>
    %reduce_sum3A_197 = arith.constant dense<0.000000e+00> : vector<128xf32>
    %reduce_sum3A_198 = vector.multi_reduction <add>, %slice3A_192, %reduce_sum3A_197 [0] : vector<128x128xf32> to vector<128xf32>
    %broadcast_in_dim3A_199 = vector.shape_cast %reduce_sum3A_198 : vector<128xf32> to vector<1x128xf32>
    %add3A_200 = arith.addf %add3A_191, %broadcast_in_dim3A_199 : vector<1x128xf32>
    %slice3A_201 = vector.extract_strided_slice %add3A_85 {offsets = [1536, 0], sizes = [128, 128], strides = [1, 1]} : vector<2048x128xf32> to vector<128x128xf32>
    %dot_general3A_202 = arith.constant dense<0.000000e+00> : vector<128x128xf32>
    %dot_general3A_203 = tpu.matmul %convert_element_type3A_90, %slice3A_201, %dot_general3A_202 {dimension_numbers = #tpu.dot_dimension_numbers<[1], [0], [0], [1], [0, 0, 1, 1], [], []>, transpose_lhs_hint = false} : vector<128x128xf32>, vector<128x128xf32>, vector<128x128xf32> -> vector<128x128xf32>
    %add3A_204 = vector.broadcast %add3A_200 : vector<1x128xf32> to vector<128x128xf32>
    %add3A_205 = arith.addf %dot_general3A_203, %add3A_204 : vector<128x128xf32>
    %reduce_sum3A_206 = arith.constant dense<0.000000e+00> : vector<128xf32>
    %reduce_sum3A_207 = vector.multi_reduction <add>, %slice3A_201, %reduce_sum3A_206 [0] : vector<128x128xf32> to vector<128xf32>
    %broadcast_in_dim3A_208 = vector.shape_cast %reduce_sum3A_207 : vector<128xf32> to vector<1x128xf32>
    %add3A_209 = arith.addf %add3A_200, %broadcast_in_dim3A_208 : vector<1x128xf32>
    %slice3A_210 = vector.extract_strided_slice %add3A_85 {offsets = [1664, 0], sizes = [128, 128], strides = [1, 1]} : vector<2048x128xf32> to vector<128x128xf32>
    %dot_general3A_211 = arith.constant dense<0.000000e+00> : vector<128x128xf32>
    %dot_general3A_212 = tpu.matmul %convert_element_type3A_90, %slice3A_210, %dot_general3A_211 {dimension_numbers = #tpu.dot_dimension_numbers<[1], [0], [0], [1], [0, 0, 1, 1], [], []>, transpose_lhs_hint = false} : vector<128x128xf32>, vector<128x128xf32>, vector<128x128xf32> -> vector<128x128xf32>
    %add3A_213 = vector.broadcast %add3A_209 : vector<1x128xf32> to vector<128x128xf32>
    %add3A_214 = arith.addf %dot_general3A_212, %add3A_213 : vector<128x128xf32>
    %reduce_sum3A_215 = arith.constant dense<0.000000e+00> : vector<128xf32>
    %reduce_sum3A_216 = vector.multi_reduction <add>, %slice3A_210, %reduce_sum3A_215 [0] : vector<128x128xf32> to vector<128xf32>
    %broadcast_in_dim3A_217 = vector.shape_cast %reduce_sum3A_216 : vector<128xf32> to vector<1x128xf32>
    %add3A_218 = arith.addf %add3A_209, %broadcast_in_dim3A_217 : vector<1x128xf32>
    %slice3A_219 = vector.extract_strided_slice %add3A_85 {offsets = [1792, 0], sizes = [128, 128], strides = [1, 1]} : vector<2048x128xf32> to vector<128x128xf32>
    %dot_general3A_220 = arith.constant dense<0.000000e+00> : vector<128x128xf32>
    %dot_general3A_221 = tpu.matmul %convert_element_type3A_90, %slice3A_219, %dot_general3A_220 {dimension_numbers = #tpu.dot_dimension_numbers<[1], [0], [0], [1], [0, 0, 1, 1], [], []>, transpose_lhs_hint = false} : vector<128x128xf32>, vector<128x128xf32>, vector<128x128xf32> -> vector<128x128xf32>
    %add3A_222 = vector.broadcast %add3A_218 : vector<1x128xf32> to vector<128x128xf32>
    %add3A_223 = arith.addf %dot_general3A_221, %add3A_222 : vector<128x128xf32>
    %reduce_sum3A_224 = arith.constant dense<0.000000e+00> : vector<128xf32>
    %reduce_sum3A_225 = vector.multi_reduction <add>, %slice3A_219, %reduce_sum3A_224 [0] : vector<128x128xf32> to vector<128xf32>
    %broadcast_in_dim3A_226 = vector.shape_cast %reduce_sum3A_225 : vector<128xf32> to vector<1x128xf32>
    %add3A_227 = arith.addf %add3A_218, %broadcast_in_dim3A_226 : vector<1x128xf32>
    %slice3A_228 = vector.extract_strided_slice %add3A_85 {offsets = [1920, 0], sizes = [128, 128], strides = [1, 1]} : vector<2048x128xf32> to vector<128x128xf32>
    %dot_general3A_229 = arith.constant dense<0.000000e+00> : vector<128x128xf32>
    %dot_general3A_230 = tpu.matmul %convert_element_type3A_90, %slice3A_228, %dot_general3A_229 {dimension_numbers = #tpu.dot_dimension_numbers<[1], [0], [0], [1], [0, 0, 1, 1], [], []>, transpose_lhs_hint = false} : vector<128x128xf32>, vector<128x128xf32>, vector<128x128xf32> -> vector<128x128xf32>
    %add3A_231 = vector.broadcast %add3A_227 : vector<1x128xf32> to vector<128x128xf32>
    %add3A_232 = arith.addf %dot_general3A_230, %add3A_231 : vector<128x128xf32>
    %reduce_sum3A_233 = arith.constant dense<0.000000e+00> : vector<128xf32>
    %reduce_sum3A_234 = vector.multi_reduction <add>, %slice3A_228, %reduce_sum3A_233 [0] : vector<128x128xf32> to vector<128xf32>
    %broadcast_in_dim3A_235 = vector.shape_cast %reduce_sum3A_234 : vector<128xf32> to vector<1x128xf32>
    %add3A_236 = arith.addf %add3A_227, %broadcast_in_dim3A_235 : vector<1x128xf32>
    %concatenate3A = tpu.concatenate %add3A_97, %add3A_106, %add3A_115, %add3A_124, %add3A_133, %add3A_142, %add3A_151, %add3A_160, %add3A_169, %add3A_178, %add3A_187, %add3A_196, %add3A_205, %add3A_214, %add3A_223, %add3A_232 in 0 : vector<128x128xf32>, vector<128x128xf32>, vector<128x128xf32>, vector<128x128xf32>, vector<128x128xf32>, vector<128x128xf32>, vector<128x128xf32>, vector<128x128xf32>, vector<128x128xf32>, vector<128x128xf32>, vector<128x128xf32>, vector<128x128xf32>, vector<128x128xf32>, vector<128x128xf32>, vector<128x128xf32>, vector<128x128xf32> -> vector<2048x128xf32>
    %iota3A_237 = tpu.iota {dimensions = array<i32: 1>} : vector<1x128xi32>
    %broadcast_in_dim3A_238 = arith.constant 0.000000e+00 : f32
    %broadcast_in_dim3A_239 = vector.broadcast %broadcast_in_dim3A_238 : f32 to vector<1x128xf32>
    %broadcast_in_dim3A_240 = arith.constant -1 : i32
    %broadcast_in_dim3A_241 = vector.broadcast %broadcast_in_dim3A_240 : i32 to vector<1x128xi32>
    %mul3A_242 = arith.constant 256 : i32
    %mul3A_243 = vector.broadcast %mul3A_242 : i32 to vector<1x128xi32>
    %mul3A_244 = arith.muli %iota3A_237, %mul3A_243 : vector<1x128xi32>
    %convert_element_type3A_245 = arith.sitofp %mul3A_244 : vector<1x128xi32> to vector<1x128xf32>
    %slice3A_246 = vector.extract_strided_slice %add3A_236 {offsets = [0, 0], sizes = [1, 1], strides = [1, 1]} : vector<1x128xf32> to vector<1x1xf32>
    %squeeze3A = vector.extract %slice3A_246[0, 0] : f32 from vector<1x1xf32>
    %slice3A_247 = vector.extract_strided_slice %add3A_236 {offsets = [0, 8], sizes = [1, 1], strides = [1, 1]} : vector<1x128xf32> to vector<1x1xf32>
    %squeeze3A_248 = vector.extract %slice3A_247[0, 0] : f32 from vector<1x1xf32>
    %add3A_249 = arith.addf %squeeze3A, %squeeze3A_248 : f32
    %eq3A_250 = arith.constant 0 : i32
    %eq3A_251 = vector.broadcast %eq3A_250 : i32 to vector<1x128xi32>
    %eq3A_252 = arith.cmpi eq, %iota3A_237, %eq3A_251 : vector<1x128xi32>
    %jit3A_253 = arith.constant 0.000000e+00 : f32
    %jit3A_254 = arith.constant 0.000000e+00 : f32
    %broadcast_in_dim3A_255 = vector.broadcast %jit3A_253 : f32 to vector<1x128xf32>
    %broadcast_in_dim3A_256 = vector.broadcast %jit3A_254 : f32 to vector<1x128xf32>
    %select_n3A_257 = arith.select %eq3A_252, %broadcast_in_dim3A_255, %broadcast_in_dim3A_256 : vector<1x128xi1>, vector<1x128xf32>
    %add3A_258 = arith.addf %broadcast_in_dim3A_239, %select_n3A_257 : vector<1x128xf32>
    %eq3A_259 = arith.constant 8 : i32
    %eq3A_260 = vector.broadcast %eq3A_259 : i32 to vector<1x128xi32>
    %eq3A_261 = arith.cmpi eq, %iota3A_237, %eq3A_260 : vector<1x128xi32>
    %add3A_262 = arith.constant 0.000000e+00 : f32
    %add3A_263 = arith.addf %add3A_262, %squeeze3A : f32
    %jit3A_264 = arith.constant 0.000000e+00 : f32
    %broadcast_in_dim3A_265 = vector.broadcast %add3A_263 : f32 to vector<1x128xf32>
    %broadcast_in_dim3A_266 = vector.broadcast %jit3A_264 : f32 to vector<1x128xf32>
    %select_n3A_267 = arith.select %eq3A_261, %broadcast_in_dim3A_265, %broadcast_in_dim3A_266 : vector<1x128xi1>, vector<1x128xf32>
    %add3A_268 = arith.addf %add3A_258, %select_n3A_267 : vector<1x128xf32>
    %ge3A_269 = arith.constant 0.000000e+00 : f32
    %ge3A_270 = vector.broadcast %ge3A_269 : f32 to vector<1x128xf32>
    %ge3A_271 = arith.cmpf oge, %convert_element_type3A_245, %ge3A_270 : vector<1x128xf32>
    %jit3A_272 = arith.constant 1 : i32
    %jit3A_273 = arith.constant 0 : i32
    %broadcast_in_dim3A_274 = vector.broadcast %jit3A_272 : i32 to vector<1x128xi32>
    %broadcast_in_dim3A_275 = vector.broadcast %jit3A_273 : i32 to vector<1x128xi32>
    %select_n3A_276 = arith.select %ge3A_271, %broadcast_in_dim3A_274, %broadcast_in_dim3A_275 : vector<1x128xi1>, vector<1x128xi32>
    %add3A_277 = arith.addi %broadcast_in_dim3A_241, %select_n3A_276 : vector<1x128xi32>
    %div3A_278 = arith.constant 2.560000e+02 : f32
    %div3A_279 = arith.divf %add3A_249, %div3A_278 : f32
    %ceil3A = math.ceil %div3A_279 : f32
    %mul3A_280 = arith.constant 2.560000e+02 : f32
    %mul3A_281 = arith.mulf %ceil3A, %mul3A_280 : f32
    %add3A_282 = arith.constant 0.000000e+00 : f32
    %add3A_283 = arith.addf %add3A_282, %mul3A_281 : f32
    %slice3A_284 = vector.extract_strided_slice %add3A_236 {offsets = [0, 1], sizes = [1, 1], strides = [1, 1]} : vector<1x128xf32> to vector<1x1xf32>
    %squeeze3A_285 = vector.extract %slice3A_284[0, 0] : f32 from vector<1x1xf32>
    %slice3A_286 = vector.extract_strided_slice %add3A_236 {offsets = [0, 9], sizes = [1, 1], strides = [1, 1]} : vector<1x128xf32> to vector<1x1xf32>
    %squeeze3A_287 = vector.extract %slice3A_286[0, 0] : f32 from vector<1x1xf32>
    %add3A_288 = arith.addf %squeeze3A_285, %squeeze3A_287 : f32
    %eq3A_289 = arith.constant 1 : i32
    %eq3A_290 = vector.broadcast %eq3A_289 : i32 to vector<1x128xi32>
    %eq3A_291 = arith.cmpi eq, %iota3A_237, %eq3A_290 : vector<1x128xi32>
    %jit3A_292 = arith.constant 0.000000e+00 : f32
    %broadcast_in_dim3A_293 = vector.broadcast %add3A_283 : f32 to vector<1x128xf32>
    %broadcast_in_dim3A_294 = vector.broadcast %jit3A_292 : f32 to vector<1x128xf32>
    %select_n3A_295 = arith.select %eq3A_291, %broadcast_in_dim3A_293, %broadcast_in_dim3A_294 : vector<1x128xi1>, vector<1x128xf32>
    %add3A_296 = arith.addf %add3A_268, %select_n3A_295 : vector<1x128xf32>
    %eq3A_297 = arith.constant 9 : i32
    %eq3A_298 = vector.broadcast %eq3A_297 : i32 to vector<1x128xi32>
    %eq3A_299 = arith.cmpi eq, %iota3A_237, %eq3A_298 : vector<1x128xi32>
    %add3A_300 = arith.addf %add3A_283, %squeeze3A_285 : f32
    %jit3A_301 = arith.constant 0.000000e+00 : f32
    %broadcast_in_dim3A_302 = vector.broadcast %add3A_300 : f32 to vector<1x128xf32>
    %broadcast_in_dim3A_303 = vector.broadcast %jit3A_301 : f32 to vector<1x128xf32>
    %select_n3A_304 = arith.select %eq3A_299, %broadcast_in_dim3A_302, %broadcast_in_dim3A_303 : vector<1x128xi1>, vector<1x128xf32>
    %add3A_305 = arith.addf %add3A_296, %select_n3A_304 : vector<1x128xf32>
    %ge3A_306 = vector.broadcast %add3A_283 : f32 to vector<1x128xf32>
    %ge3A_307 = arith.cmpf oge, %convert_element_type3A_245, %ge3A_306 : vector<1x128xf32>
    %jit3A_308 = arith.constant 1 : i32
    %jit3A_309 = arith.constant 0 : i32
    %broadcast_in_dim3A_310 = vector.broadcast %jit3A_308 : i32 to vector<1x128xi32>
    %broadcast_in_dim3A_311 = vector.broadcast %jit3A_309 : i32 to vector<1x128xi32>
    %select_n3A_312 = arith.select %ge3A_307, %broadcast_in_dim3A_310, %broadcast_in_dim3A_311 : vector<1x128xi1>, vector<1x128xi32>
    %add3A_313 = arith.addi %add3A_277, %select_n3A_312 : vector<1x128xi32>
    %div3A_314 = arith.constant 2.560000e+02 : f32
    %div3A_315 = arith.divf %add3A_288, %div3A_314 : f32
    %ceil3A_316 = math.ceil %div3A_315 : f32
    %mul3A_317 = arith.constant 2.560000e+02 : f32
    %mul3A_318 = arith.mulf %ceil3A_316, %mul3A_317 : f32
    %add3A_319 = arith.addf %add3A_283, %mul3A_318 : f32
    %slice3A_320 = vector.extract_strided_slice %add3A_236 {offsets = [0, 2], sizes = [1, 1], strides = [1, 1]} : vector<1x128xf32> to vector<1x1xf32>
    %squeeze3A_321 = vector.extract %slice3A_320[0, 0] : f32 from vector<1x1xf32>
    %slice3A_322 = vector.extract_strided_slice %add3A_236 {offsets = [0, 10], sizes = [1, 1], strides = [1, 1]} : vector<1x128xf32> to vector<1x1xf32>
    %squeeze3A_323 = vector.extract %slice3A_322[0, 0] : f32 from vector<1x1xf32>
    %add3A_324 = arith.addf %squeeze3A_321, %squeeze3A_323 : f32
    %eq3A_325 = arith.constant 2 : i32
    %eq3A_326 = vector.broadcast %eq3A_325 : i32 to vector<1x128xi32>
    %eq3A_327 = arith.cmpi eq, %iota3A_237, %eq3A_326 : vector<1x128xi32>
    %jit3A_328 = arith.constant 0.000000e+00 : f32
    %broadcast_in_dim3A_329 = vector.broadcast %add3A_319 : f32 to vector<1x128xf32>
    %broadcast_in_dim3A_330 = vector.broadcast %jit3A_328 : f32 to vector<1x128xf32>
    %select_n3A_331 = arith.select %eq3A_327, %broadcast_in_dim3A_329, %broadcast_in_dim3A_330 : vector<1x128xi1>, vector<1x128xf32>
    %add3A_332 = arith.addf %add3A_305, %select_n3A_331 : vector<1x128xf32>
    %eq3A_333 = arith.constant 10 : i32
    %eq3A_334 = vector.broadcast %eq3A_333 : i32 to vector<1x128xi32>
    %eq3A_335 = arith.cmpi eq, %iota3A_237, %eq3A_334 : vector<1x128xi32>
    %add3A_336 = arith.addf %add3A_319, %squeeze3A_321 : f32
    %jit3A_337 = arith.constant 0.000000e+00 : f32
    %broadcast_in_dim3A_338 = vector.broadcast %add3A_336 : f32 to vector<1x128xf32>
    %broadcast_in_dim3A_339 = vector.broadcast %jit3A_337 : f32 to vector<1x128xf32>
    %select_n3A_340 = arith.select %eq3A_335, %broadcast_in_dim3A_338, %broadcast_in_dim3A_339 : vector<1x128xi1>, vector<1x128xf32>
    %add3A_341 = arith.addf %add3A_332, %select_n3A_340 : vector<1x128xf32>
    %ge3A_342 = vector.broadcast %add3A_319 : f32 to vector<1x128xf32>
    %ge3A_343 = arith.cmpf oge, %convert_element_type3A_245, %ge3A_342 : vector<1x128xf32>
    %jit3A_344 = arith.constant 1 : i32
    %jit3A_345 = arith.constant 0 : i32
    %broadcast_in_dim3A_346 = vector.broadcast %jit3A_344 : i32 to vector<1x128xi32>
    %broadcast_in_dim3A_347 = vector.broadcast %jit3A_345 : i32 to vector<1x128xi32>
    %select_n3A_348 = arith.select %ge3A_343, %broadcast_in_dim3A_346, %broadcast_in_dim3A_347 : vector<1x128xi1>, vector<1x128xi32>
    %add3A_349 = arith.addi %add3A_313, %select_n3A_348 : vector<1x128xi32>
    %div3A_350 = arith.constant 2.560000e+02 : f32
    %div3A_351 = arith.divf %add3A_324, %div3A_350 : f32
    %ceil3A_352 = math.ceil %div3A_351 : f32
    %mul3A_353 = arith.constant 2.560000e+02 : f32
    %mul3A_354 = arith.mulf %ceil3A_352, %mul3A_353 : f32
    %add3A_355 = arith.addf %add3A_319, %mul3A_354 : f32
    %slice3A_356 = vector.extract_strided_slice %add3A_236 {offsets = [0, 3], sizes = [1, 1], strides = [1, 1]} : vector<1x128xf32> to vector<1x1xf32>
    %squeeze3A_357 = vector.extract %slice3A_356[0, 0] : f32 from vector<1x1xf32>
    %slice3A_358 = vector.extract_strided_slice %add3A_236 {offsets = [0, 11], sizes = [1, 1], strides = [1, 1]} : vector<1x128xf32> to vector<1x1xf32>
    %squeeze3A_359 = vector.extract %slice3A_358[0, 0] : f32 from vector<1x1xf32>
    %add3A_360 = arith.addf %squeeze3A_357, %squeeze3A_359 : f32
    %eq3A_361 = arith.constant 3 : i32
    %eq3A_362 = vector.broadcast %eq3A_361 : i32 to vector<1x128xi32>
    %eq3A_363 = arith.cmpi eq, %iota3A_237, %eq3A_362 : vector<1x128xi32>
    %jit3A_364 = arith.constant 0.000000e+00 : f32
    %broadcast_in_dim3A_365 = vector.broadcast %add3A_355 : f32 to vector<1x128xf32>
    %broadcast_in_dim3A_366 = vector.broadcast %jit3A_364 : f32 to vector<1x128xf32>
    %select_n3A_367 = arith.select %eq3A_363, %broadcast_in_dim3A_365, %broadcast_in_dim3A_366 : vector<1x128xi1>, vector<1x128xf32>
    %add3A_368 = arith.addf %add3A_341, %select_n3A_367 : vector<1x128xf32>
    %eq3A_369 = arith.constant 11 : i32
    %eq3A_370 = vector.broadcast %eq3A_369 : i32 to vector<1x128xi32>
    %eq3A_371 = arith.cmpi eq, %iota3A_237, %eq3A_370 : vector<1x128xi32>
    %add3A_372 = arith.addf %add3A_355, %squeeze3A_357 : f32
    %jit3A_373 = arith.constant 0.000000e+00 : f32
    %broadcast_in_dim3A_374 = vector.broadcast %add3A_372 : f32 to vector<1x128xf32>
    %broadcast_in_dim3A_375 = vector.broadcast %jit3A_373 : f32 to vector<1x128xf32>
    %select_n3A_376 = arith.select %eq3A_371, %broadcast_in_dim3A_374, %broadcast_in_dim3A_375 : vector<1x128xi1>, vector<1x128xf32>
    %add3A_377 = arith.addf %add3A_368, %select_n3A_376 : vector<1x128xf32>
    %ge3A_378 = vector.broadcast %add3A_355 : f32 to vector<1x128xf32>
    %ge3A_379 = arith.cmpf oge, %convert_element_type3A_245, %ge3A_378 : vector<1x128xf32>
    %jit3A_380 = arith.constant 1 : i32
    %jit3A_381 = arith.constant 0 : i32
    %broadcast_in_dim3A_382 = vector.broadcast %jit3A_380 : i32 to vector<1x128xi32>
    %broadcast_in_dim3A_383 = vector.broadcast %jit3A_381 : i32 to vector<1x128xi32>
    %select_n3A_384 = arith.select %ge3A_379, %broadcast_in_dim3A_382, %broadcast_in_dim3A_383 : vector<1x128xi1>, vector<1x128xi32>
    %add3A_385 = arith.addi %add3A_349, %select_n3A_384 : vector<1x128xi32>
    %div3A_386 = arith.constant 2.560000e+02 : f32
    %div3A_387 = arith.divf %add3A_360, %div3A_386 : f32
    %ceil3A_388 = math.ceil %div3A_387 : f32
    %mul3A_389 = arith.constant 2.560000e+02 : f32
    %mul3A_390 = arith.mulf %ceil3A_388, %mul3A_389 : f32
    %add3A_391 = arith.addf %add3A_355, %mul3A_390 : f32
    %slice3A_392 = vector.extract_strided_slice %add3A_236 {offsets = [0, 4], sizes = [1, 1], strides = [1, 1]} : vector<1x128xf32> to vector<1x1xf32>
    %squeeze3A_393 = vector.extract %slice3A_392[0, 0] : f32 from vector<1x1xf32>
    %slice3A_394 = vector.extract_strided_slice %add3A_236 {offsets = [0, 12], sizes = [1, 1], strides = [1, 1]} : vector<1x128xf32> to vector<1x1xf32>
    %squeeze3A_395 = vector.extract %slice3A_394[0, 0] : f32 from vector<1x1xf32>
    %add3A_396 = arith.addf %squeeze3A_393, %squeeze3A_395 : f32
    %eq3A_397 = arith.constant 4 : i32
    %eq3A_398 = vector.broadcast %eq3A_397 : i32 to vector<1x128xi32>
    %eq3A_399 = arith.cmpi eq, %iota3A_237, %eq3A_398 : vector<1x128xi32>
    %jit3A_400 = arith.constant 0.000000e+00 : f32
    %broadcast_in_dim3A_401 = vector.broadcast %add3A_391 : f32 to vector<1x128xf32>
    %broadcast_in_dim3A_402 = vector.broadcast %jit3A_400 : f32 to vector<1x128xf32>
    %select_n3A_403 = arith.select %eq3A_399, %broadcast_in_dim3A_401, %broadcast_in_dim3A_402 : vector<1x128xi1>, vector<1x128xf32>
    %add3A_404 = arith.addf %add3A_377, %select_n3A_403 : vector<1x128xf32>
    %eq3A_405 = arith.constant 12 : i32
    %eq3A_406 = vector.broadcast %eq3A_405 : i32 to vector<1x128xi32>
    %eq3A_407 = arith.cmpi eq, %iota3A_237, %eq3A_406 : vector<1x128xi32>
    %add3A_408 = arith.addf %add3A_391, %squeeze3A_393 : f32
    %jit3A_409 = arith.constant 0.000000e+00 : f32
    %broadcast_in_dim3A_410 = vector.broadcast %add3A_408 : f32 to vector<1x128xf32>
    %broadcast_in_dim3A_411 = vector.broadcast %jit3A_409 : f32 to vector<1x128xf32>
    %select_n3A_412 = arith.select %eq3A_407, %broadcast_in_dim3A_410, %broadcast_in_dim3A_411 : vector<1x128xi1>, vector<1x128xf32>
    %add3A_413 = arith.addf %add3A_404, %select_n3A_412 : vector<1x128xf32>
    %ge3A_414 = vector.broadcast %add3A_391 : f32 to vector<1x128xf32>
    %ge3A_415 = arith.cmpf oge, %convert_element_type3A_245, %ge3A_414 : vector<1x128xf32>
    %jit3A_416 = arith.constant 1 : i32
    %jit3A_417 = arith.constant 0 : i32
    %broadcast_in_dim3A_418 = vector.broadcast %jit3A_416 : i32 to vector<1x128xi32>
    %broadcast_in_dim3A_419 = vector.broadcast %jit3A_417 : i32 to vector<1x128xi32>
    %select_n3A_420 = arith.select %ge3A_415, %broadcast_in_dim3A_418, %broadcast_in_dim3A_419 : vector<1x128xi1>, vector<1x128xi32>
    %add3A_421 = arith.addi %add3A_385, %select_n3A_420 : vector<1x128xi32>
    %div3A_422 = arith.constant 2.560000e+02 : f32
    %div3A_423 = arith.divf %add3A_396, %div3A_422 : f32
    %ceil3A_424 = math.ceil %div3A_423 : f32
    %mul3A_425 = arith.constant 2.560000e+02 : f32
    %mul3A_426 = arith.mulf %ceil3A_424, %mul3A_425 : f32
    %add3A_427 = arith.addf %add3A_391, %mul3A_426 : f32
    %slice3A_428 = vector.extract_strided_slice %add3A_236 {offsets = [0, 5], sizes = [1, 1], strides = [1, 1]} : vector<1x128xf32> to vector<1x1xf32>
    %squeeze3A_429 = vector.extract %slice3A_428[0, 0] : f32 from vector<1x1xf32>
    %slice3A_430 = vector.extract_strided_slice %add3A_236 {offsets = [0, 13], sizes = [1, 1], strides = [1, 1]} : vector<1x128xf32> to vector<1x1xf32>
    %squeeze3A_431 = vector.extract %slice3A_430[0, 0] : f32 from vector<1x1xf32>
    %add3A_432 = arith.addf %squeeze3A_429, %squeeze3A_431 : f32
    %eq3A_433 = arith.constant 5 : i32
    %eq3A_434 = vector.broadcast %eq3A_433 : i32 to vector<1x128xi32>
    %eq3A_435 = arith.cmpi eq, %iota3A_237, %eq3A_434 : vector<1x128xi32>
    %jit3A_436 = arith.constant 0.000000e+00 : f32
    %broadcast_in_dim3A_437 = vector.broadcast %add3A_427 : f32 to vector<1x128xf32>
    %broadcast_in_dim3A_438 = vector.broadcast %jit3A_436 : f32 to vector<1x128xf32>
    %select_n3A_439 = arith.select %eq3A_435, %broadcast_in_dim3A_437, %broadcast_in_dim3A_438 : vector<1x128xi1>, vector<1x128xf32>
    %add3A_440 = arith.addf %add3A_413, %select_n3A_439 : vector<1x128xf32>
    %eq3A_441 = arith.constant 13 : i32
    %eq3A_442 = vector.broadcast %eq3A_441 : i32 to vector<1x128xi32>
    %eq3A_443 = arith.cmpi eq, %iota3A_237, %eq3A_442 : vector<1x128xi32>
    %add3A_444 = arith.addf %add3A_427, %squeeze3A_429 : f32
    %jit3A_445 = arith.constant 0.000000e+00 : f32
    %broadcast_in_dim3A_446 = vector.broadcast %add3A_444 : f32 to vector<1x128xf32>
    %broadcast_in_dim3A_447 = vector.broadcast %jit3A_445 : f32 to vector<1x128xf32>
    %select_n3A_448 = arith.select %eq3A_443, %broadcast_in_dim3A_446, %broadcast_in_dim3A_447 : vector<1x128xi1>, vector<1x128xf32>
    %add3A_449 = arith.addf %add3A_440, %select_n3A_448 : vector<1x128xf32>
    %ge3A_450 = vector.broadcast %add3A_427 : f32 to vector<1x128xf32>
    %ge3A_451 = arith.cmpf oge, %convert_element_type3A_245, %ge3A_450 : vector<1x128xf32>
    %jit3A_452 = arith.constant 1 : i32
    %jit3A_453 = arith.constant 0 : i32
    %broadcast_in_dim3A_454 = vector.broadcast %jit3A_452 : i32 to vector<1x128xi32>
    %broadcast_in_dim3A_455 = vector.broadcast %jit3A_453 : i32 to vector<1x128xi32>
    %select_n3A_456 = arith.select %ge3A_451, %broadcast_in_dim3A_454, %broadcast_in_dim3A_455 : vector<1x128xi1>, vector<1x128xi32>
    %add3A_457 = arith.addi %add3A_421, %select_n3A_456 : vector<1x128xi32>
    %div3A_458 = arith.constant 2.560000e+02 : f32
    %div3A_459 = arith.divf %add3A_432, %div3A_458 : f32
    %ceil3A_460 = math.ceil %div3A_459 : f32
    %mul3A_461 = arith.constant 2.560000e+02 : f32
    %mul3A_462 = arith.mulf %ceil3A_460, %mul3A_461 : f32
    %add3A_463 = arith.addf %add3A_427, %mul3A_462 : f32
    %slice3A_464 = vector.extract_strided_slice %add3A_236 {offsets = [0, 6], sizes = [1, 1], strides = [1, 1]} : vector<1x128xf32> to vector<1x1xf32>
    %squeeze3A_465 = vector.extract %slice3A_464[0, 0] : f32 from vector<1x1xf32>
    %slice3A_466 = vector.extract_strided_slice %add3A_236 {offsets = [0, 14], sizes = [1, 1], strides = [1, 1]} : vector<1x128xf32> to vector<1x1xf32>
    %squeeze3A_467 = vector.extract %slice3A_466[0, 0] : f32 from vector<1x1xf32>
    %add3A_468 = arith.addf %squeeze3A_465, %squeeze3A_467 : f32
    %eq3A_469 = arith.constant 6 : i32
    %eq3A_470 = vector.broadcast %eq3A_469 : i32 to vector<1x128xi32>
    %eq3A_471 = arith.cmpi eq, %iota3A_237, %eq3A_470 : vector<1x128xi32>
    %jit3A_472 = arith.constant 0.000000e+00 : f32
    %broadcast_in_dim3A_473 = vector.broadcast %add3A_463 : f32 to vector<1x128xf32>
    %broadcast_in_dim3A_474 = vector.broadcast %jit3A_472 : f32 to vector<1x128xf32>
    %select_n3A_475 = arith.select %eq3A_471, %broadcast_in_dim3A_473, %broadcast_in_dim3A_474 : vector<1x128xi1>, vector<1x128xf32>
    %add3A_476 = arith.addf %add3A_449, %select_n3A_475 : vector<1x128xf32>
    %eq3A_477 = arith.constant 14 : i32
    %eq3A_478 = vector.broadcast %eq3A_477 : i32 to vector<1x128xi32>
    %eq3A_479 = arith.cmpi eq, %iota3A_237, %eq3A_478 : vector<1x128xi32>
    %add3A_480 = arith.addf %add3A_463, %squeeze3A_465 : f32
    %jit3A_481 = arith.constant 0.000000e+00 : f32
    %broadcast_in_dim3A_482 = vector.broadcast %add3A_480 : f32 to vector<1x128xf32>
    %broadcast_in_dim3A_483 = vector.broadcast %jit3A_481 : f32 to vector<1x128xf32>
    %select_n3A_484 = arith.select %eq3A_479, %broadcast_in_dim3A_482, %broadcast_in_dim3A_483 : vector<1x128xi1>, vector<1x128xf32>
    %add3A_485 = arith.addf %add3A_476, %select_n3A_484 : vector<1x128xf32>
    %ge3A_486 = vector.broadcast %add3A_463 : f32 to vector<1x128xf32>
    %ge3A_487 = arith.cmpf oge, %convert_element_type3A_245, %ge3A_486 : vector<1x128xf32>
    %jit3A_488 = arith.constant 1 : i32
    %jit3A_489 = arith.constant 0 : i32
    %broadcast_in_dim3A_490 = vector.broadcast %jit3A_488 : i32 to vector<1x128xi32>
    %broadcast_in_dim3A_491 = vector.broadcast %jit3A_489 : i32 to vector<1x128xi32>
    %select_n3A_492 = arith.select %ge3A_487, %broadcast_in_dim3A_490, %broadcast_in_dim3A_491 : vector<1x128xi1>, vector<1x128xi32>
    %add3A_493 = arith.addi %add3A_457, %select_n3A_492 : vector<1x128xi32>
    %div3A_494 = arith.constant 2.560000e+02 : f32
    %div3A_495 = arith.divf %add3A_468, %div3A_494 : f32
    %ceil3A_496 = math.ceil %div3A_495 : f32
    %mul3A_497 = arith.constant 2.560000e+02 : f32
    %mul3A_498 = arith.mulf %ceil3A_496, %mul3A_497 : f32
    %add3A_499 = arith.addf %add3A_463, %mul3A_498 : f32
    %slice3A_500 = vector.extract_strided_slice %add3A_236 {offsets = [0, 7], sizes = [1, 1], strides = [1, 1]} : vector<1x128xf32> to vector<1x1xf32>
    %squeeze3A_501 = vector.extract %slice3A_500[0, 0] : f32 from vector<1x1xf32>
    %eq3A_502 = arith.constant 7 : i32
    %eq3A_503 = vector.broadcast %eq3A_502 : i32 to vector<1x128xi32>
    %eq3A_504 = arith.cmpi eq, %iota3A_237, %eq3A_503 : vector<1x128xi32>
    %jit3A_505 = arith.constant 0.000000e+00 : f32
    %broadcast_in_dim3A_506 = vector.broadcast %add3A_499 : f32 to vector<1x128xf32>
    %broadcast_in_dim3A_507 = vector.broadcast %jit3A_505 : f32 to vector<1x128xf32>
    %select_n3A_508 = arith.select %eq3A_504, %broadcast_in_dim3A_506, %broadcast_in_dim3A_507 : vector<1x128xi1>, vector<1x128xf32>
    %add3A_509 = arith.addf %add3A_485, %select_n3A_508 : vector<1x128xf32>
    %eq3A_510 = arith.constant 15 : i32
    %eq3A_511 = vector.broadcast %eq3A_510 : i32 to vector<1x128xi32>
    %eq3A_512 = arith.cmpi eq, %iota3A_237, %eq3A_511 : vector<1x128xi32>
    %add3A_513 = arith.addf %add3A_499, %squeeze3A_501 : f32
    %jit3A_514 = arith.constant 0.000000e+00 : f32
    %broadcast_in_dim3A_515 = vector.broadcast %add3A_513 : f32 to vector<1x128xf32>
    %broadcast_in_dim3A_516 = vector.broadcast %jit3A_514 : f32 to vector<1x128xf32>
    %select_n3A_517 = arith.select %eq3A_512, %broadcast_in_dim3A_515, %broadcast_in_dim3A_516 : vector<1x128xi1>, vector<1x128xf32>
    %add3A_518 = arith.addf %add3A_509, %select_n3A_517 : vector<1x128xf32>
    %ge3A_519 = vector.broadcast %add3A_499 : f32 to vector<1x128xf32>
    %ge3A_520 = arith.cmpf oge, %convert_element_type3A_245, %ge3A_519 : vector<1x128xf32>
    %jit3A_521 = arith.constant 1 : i32
    %jit3A_522 = arith.constant 0 : i32
    %broadcast_in_dim3A_523 = vector.broadcast %jit3A_521 : i32 to vector<1x128xi32>
    %broadcast_in_dim3A_524 = vector.broadcast %jit3A_522 : i32 to vector<1x128xi32>
    %select_n3A_525 = arith.select %ge3A_520, %broadcast_in_dim3A_523, %broadcast_in_dim3A_524 : vector<1x128xi1>, vector<1x128xi32>
    %add3A_526 = arith.addi %add3A_493, %select_n3A_525 : vector<1x128xi32>
    %add3A_527 = vector.broadcast %add3A_518 : vector<1x128xf32> to vector<2048x128xf32>
    %add3A_528 = arith.addf %add3A_527, %concatenate3A : vector<2048x128xf32>
    %mul3A_529 = arith.mulf %add3A_85, %add3A_528 : vector<2048x128xf32>
    %slice3A_530 = vector.extract_strided_slice %mul3A_529 {offsets = [0, 0], sizes = [2048, 8], strides = [1, 1]} : vector<2048x128xf32> to vector<2048x8xf32>
    %reduce_sum3A_531 = arith.constant dense<0.000000e+00> : vector<2048xf32>
    %reduce_sum3A_532 = vector.multi_reduction <add>, %slice3A_530, %reduce_sum3A_531 [1] : vector<2048x8xf32> to vector<2048xf32>
    %broadcast_in_dim3A_533 = vector.shape_cast %reduce_sum3A_532 : vector<2048xf32> to vector<2048x1xf32>
    %slice3A_534 = vector.extract_strided_slice %mul3A_529 {offsets = [0, 8], sizes = [2048, 8], strides = [1, 1]} : vector<2048x128xf32> to vector<2048x8xf32>
    %reduce_sum3A_535 = arith.constant dense<0.000000e+00> : vector<2048xf32>
    %reduce_sum3A_536 = vector.multi_reduction <add>, %slice3A_534, %reduce_sum3A_535 [1] : vector<2048x8xf32> to vector<2048xf32>
    %broadcast_in_dim3A_537 = vector.shape_cast %reduce_sum3A_536 : vector<2048xf32> to vector<2048x1xf32>
    %eq3A_538 = arith.constant 0 : i32
    %eq3A_539 = vector.broadcast %eq3A_538 : i32 to vector<2048x128xi32>
    %eq3A_540 = arith.cmpi eq, %iota3A_68, %eq3A_539 : vector<2048x128xi32>
    %eq3A_541 = arith.constant 1 : i32
    %eq3A_542 = vector.broadcast %eq3A_541 : i32 to vector<2048x128xi32>
    %eq3A_543 = arith.cmpi eq, %iota3A_68, %eq3A_542 : vector<2048x128xi32>
    %jit3A_544 = arith.constant 0.000000e+00 : f32
    %broadcast_in_dim3A_545 = vector.shape_cast %div3A_63 : vector<2048x1xf32> to vector<2048x1xf32>
    %broadcast_in_dim3A_546 = vector.broadcast %broadcast_in_dim3A_545 : vector<2048x1xf32> to vector<2048x128xf32>
    %broadcast_in_dim3A_547 = vector.broadcast %jit3A_544 : f32 to vector<2048x128xf32>
    %select_n3A_548 = arith.select %eq3A_540, %broadcast_in_dim3A_546, %broadcast_in_dim3A_547 : vector<2048x128xi1>, vector<2048x128xf32>
    %jit3A_549 = arith.constant 0.000000e+00 : f32
    %broadcast_in_dim3A_550 = vector.shape_cast %mul3A_64 : vector<2048x1xf32> to vector<2048x1xf32>
    %broadcast_in_dim3A_551 = vector.broadcast %broadcast_in_dim3A_550 : vector<2048x1xf32> to vector<2048x128xf32>
    %broadcast_in_dim3A_552 = vector.broadcast %jit3A_549 : f32 to vector<2048x128xf32>
    %select_n3A_553 = arith.select %eq3A_543, %broadcast_in_dim3A_551, %broadcast_in_dim3A_552 : vector<2048x128xi1>, vector<2048x128xf32>
    %add3A_554 = arith.addf %select_n3A_548, %select_n3A_553 : vector<2048x128xf32>
    %swap3A_555 = arith.constant 0 : index
    %swap3A_556 = arith.constant 0 : index
    %swap3A_557 = vector.load %arg6[%swap3A_555, %swap3A_556] : memref<2048x128xf32, #tpu.memory_space<vmem>>, vector<2048x128xf32>
    tpu.vector_store %arg6[%swap3A_555, %swap3A_556], %add3A_554 {strides = array<i32>} : memref<2048x128xf32, #tpu.memory_space<vmem>>, vector<2048x128xf32>,
    %jit3A_558 = arith.constant 0.000000e+00 : f32
    %broadcast_in_dim3A_559 = vector.shape_cast %broadcast_in_dim3A_533 : vector<2048x1xf32> to vector<2048x1xf32>
    %broadcast_in_dim3A_560 = vector.broadcast %broadcast_in_dim3A_559 : vector<2048x1xf32> to vector<2048x128xf32>
    %broadcast_in_dim3A_561 = vector.broadcast %jit3A_558 : f32 to vector<2048x128xf32>
    %select_n3A_562 = arith.select %eq3A_540, %broadcast_in_dim3A_560, %broadcast_in_dim3A_561 : vector<2048x128xi1>, vector<2048x128xf32>
    %jit3A_563 = arith.constant 0.000000e+00 : f32
    %broadcast_in_dim3A_564 = vector.shape_cast %broadcast_in_dim3A_537 : vector<2048x1xf32> to vector<2048x1xf32>
    %broadcast_in_dim3A_565 = vector.broadcast %broadcast_in_dim3A_564 : vector<2048x1xf32> to vector<2048x128xf32>
    %broadcast_in_dim3A_566 = vector.broadcast %jit3A_563 : f32 to vector<2048x128xf32>
    %select_n3A_567 = arith.select %eq3A_543, %broadcast_in_dim3A_565, %broadcast_in_dim3A_566 : vector<2048x128xi1>, vector<2048x128xf32>
    %add3A_568 = arith.addf %select_n3A_562, %select_n3A_567 : vector<2048x128xf32>
    %convert_element_type3A_569 = arith.fptosi %add3A_568 : vector<2048x128xf32> to vector<2048x128xi32>
    %swap3A_570 = arith.constant 0 : index
    %swap3A_571 = arith.constant 0 : index
    %swap3A_572 = vector.load %arg7[%swap3A_570, %swap3A_571] : memref<2048x128xi32, #tpu.memory_space<vmem>>, vector<2048x128xi32>
    tpu.vector_store %arg7[%swap3A_570, %swap3A_571], %convert_element_type3A_569 {strides = array<i32>} : memref<2048x128xi32, #tpu.memory_space<vmem>>, vector<2048x128xi32>,
    %swap3A_573 = arith.constant 0 : index
    %swap3A_574 = arith.constant 0 : index
    %swap3A_575 = vector.load %arg8[%swap3A_573, %swap3A_574] : memref<1x128xi32, #tpu.memory_space<vmem>>, vector<1x128xi32>
    tpu.vector_store %arg8[%swap3A_573, %swap3A_574], %add3A_526 {strides = array<i32>} : memref<1x128xi32, #tpu.memory_space<vmem>>, vector<1x128xi32>,
    return
  }
  func.func @transform_0(%arg0: i32) -> (i32, i32) {
    %c0_i32 = arith.constant 0 : i32
    %c0_i32_0 = arith.constant 0 : i32
    %c0_i32_1 = arith.constant 0 : i32
    return %c0_i32, %c0_i32_0 : i32, i32
  }
  func.func @transform_1(%arg0: i32) -> (i32, i32) {
    %c0_i32 = arith.constant 0 : i32
    %c0_i32_0 = arith.constant 0 : i32
    %c0_i32_1 = arith.constant 0 : i32
    return %c0_i32, %c0_i32_0 : i32, i32
  }
  func.func @transform_2(%arg0: i32) -> (i32, i32) {
    %c0_i32 = arith.constant 0 : i32
    %c0_i32_0 = arith.constant 0 : i32
    %c0_i32_1 = arith.constant 0 : i32
    return %c0_i32, %c0_i32_0 : i32, i32
  }
  func.func @transform_3(%arg0: i32) -> (i32, i32) {
    %c0_i32 = arith.constant 0 : i32
    %c0_i32_0 = arith.constant 0 : i32
    %c0_i32_1 = arith.constant 0 : i32
    return %c0_i32, %c0_i32_0 : i32, i32
  }
  func.func @transform_4(%arg0: i32) -> (i32, i32) {
    %c0_i32 = arith.constant 0 : i32
    %c0_i32_0 = arith.constant 0 : i32
    %c0_i32_1 = arith.constant 0 : i32
    return %c0_i32, %c0_i32_0 : i32, i32
  }
  func.func @transform_5(%arg0: i32) -> (i32, i32) {
    %c0_i32 = arith.constant 0 : i32
    %c0_i32_0 = arith.constant 0 : i32
    %c0_i32_1 = arith.constant 0 : i32
    return %c0_i32, %c0_i32_0 : i32, i32
  }
  func.func @transform_6(%arg0: i32) -> (i32, i32) {
    %c0_i32 = arith.constant 0 : i32
    %c0_i32_0 = arith.constant 0 : i32
    %c0_i32_1 = arith.constant 0 : i32
    return %c0_i32, %c0_i32_0 : i32, i32
  }
  func.func @transform_7(%arg0: i32) -> (i32, i32) {
    %c0_i32 = arith.constant 0 : i32
    %c0_i32_0 = arith.constant 0 : i32
    %c0_i32_1 = arith.constant 0 : i32
    return %c0_i32, %c0_i32_0 : i32, i32
  }
}

module attributes {stable_mosaic.version = 14 : i64} {
  func.func @_ffn_body(%arg0: i32, %arg1: memref<24xi32, #tpu.memory_space<smem>>, %arg2: memref<256x1024xf32, #tpu.memory_space<vmem>>, %arg3: memref<8x1024x512xbf16, #tpu.memory_space<vmem>>, %arg4: memref<8x1x512xf32, #tpu.memory_space<vmem>>, %arg5: memref<8x512x1024xbf16, #tpu.memory_space<vmem>>, %arg6: memref<8x1x1024xf32, #tpu.memory_space<vmem>>, %arg7: memref<256x1024xf32, #tpu.memory_space<vmem>>) attributes {dimension_semantics = [#tpu.dimension_semantics<arbitrary>], iteration_bounds = array<i64: 24>, scalar_prefetch = 1 : i64, scratch_operands = 0 : i64, tpu.core_type = #tpu.core_type<tc>, window_params = [{transform_indices = @transform_0, window_bounds = array<i64: 256, 1024>}, {pipeline_mode = #tpu.pipeline_mode<synchronous>, transform_indices = @transform_1, window_bounds = array<i64: 8, 1024, 512>}, {pipeline_mode = #tpu.pipeline_mode<synchronous>, transform_indices = @transform_2, window_bounds = array<i64: 8, 1, 512>}, {pipeline_mode = #tpu.pipeline_mode<synchronous>, transform_indices = @transform_3, window_bounds = array<i64: 8, 512, 1024>}, {pipeline_mode = #tpu.pipeline_mode<synchronous>, transform_indices = @transform_4, window_bounds = array<i64: 8, 1, 1024>}, {transform_indices = @transform_5, window_bounds = array<i64: 256, 1024>}]} {
    %get3A = arith.index_cast %arg0 : i32 to index
    %get3A_0 = memref.load %arg1[%get3A] : memref<24xi32, #tpu.memory_space<smem>>
    %get3A_1 = arith.constant 0 : index
    %get3A_2 = arith.constant 0 : index
    %get3A_3 = vector.load %arg2[%get3A_1, %get3A_2] : memref<256x1024xf32, #tpu.memory_space<vmem>>, vector<256x1024xf32>
    %convert_element_type3A = arith.truncf %get3A_3 : vector<256x1024xf32> to vector<256x1024xbf16>
    %get3A_4 = arith.index_cast %get3A_0 : i32 to index
    %get3A_5 = arith.constant 0 : index
    %get3A_6 = arith.constant 0 : index
    %get3A_7 = vector.load %arg3[%get3A_4, %get3A_5, %get3A_6] : memref<8x1024x512xbf16, #tpu.memory_space<vmem>>, vector<1x1024x512xbf16>
    %get3A_8 = vector.shape_cast %get3A_7 : vector<1x1024x512xbf16> to vector<1024x512xbf16>
    %dot_general3A = arith.constant dense<0.000000e+00> : vector<256x512xf32>
    %dot_general3A_9 = tpu.matmul %convert_element_type3A, %get3A_8, %dot_general3A {dimension_numbers = #tpu.dot_dimension_numbers<[1], [0], [0], [1], [0, 0, 1, 1], [], []>, transpose_lhs_hint = false} : vector<256x1024xbf16>, vector<1024x512xbf16>, vector<256x512xf32> -> vector<256x512xf32>
    %get3A_10 = arith.index_cast %get3A_0 : i32 to index
    %get3A_11 = arith.constant 0 : index
    %get3A_12 = arith.constant 0 : index
    %get3A_13 = vector.load %arg4[%get3A_10, %get3A_11, %get3A_12] : memref<8x1x512xf32, #tpu.memory_space<vmem>>, vector<1x1x512xf32>
    %get3A_14 = vector.shape_cast %get3A_13 : vector<1x1x512xf32> to vector<1x512xf32>
    %add3A = vector.broadcast %get3A_14 : vector<1x512xf32> to vector<256x512xf32>
    %add3A_15 = arith.addf %dot_general3A_9, %add3A : vector<256x512xf32>
    %max3A = arith.constant 0.000000e+00 : f32
    %max3A_16 = vector.broadcast %max3A : f32 to vector<256x512xf32>
    %max3A_17 = arith.maximumf %add3A_15, %max3A_16 : vector<256x512xf32>
    %convert_element_type3A_18 = arith.truncf %max3A_17 : vector<256x512xf32> to vector<256x512xbf16>
    %get3A_19 = arith.index_cast %get3A_0 : i32 to index
    %get3A_20 = arith.constant 0 : index
    %get3A_21 = arith.constant 0 : index
    %get3A_22 = vector.load %arg5[%get3A_19, %get3A_20, %get3A_21] : memref<8x512x1024xbf16, #tpu.memory_space<vmem>>, vector<1x512x1024xbf16>
    %get3A_23 = vector.shape_cast %get3A_22 : vector<1x512x1024xbf16> to vector<512x1024xbf16>
    %dot_general3A_24 = arith.constant dense<0.000000e+00> : vector<256x1024xf32>
    %dot_general3A_25 = tpu.matmul %convert_element_type3A_18, %get3A_23, %dot_general3A_24 {dimension_numbers = #tpu.dot_dimension_numbers<[1], [0], [0], [1], [0, 0, 1, 1], [], []>, transpose_lhs_hint = false} : vector<256x512xbf16>, vector<512x1024xbf16>, vector<256x1024xf32> -> vector<256x1024xf32>
    %get3A_26 = arith.index_cast %get3A_0 : i32 to index
    %get3A_27 = arith.constant 0 : index
    %get3A_28 = arith.constant 0 : index
    %get3A_29 = vector.load %arg6[%get3A_26, %get3A_27, %get3A_28] : memref<8x1x1024xf32, #tpu.memory_space<vmem>>, vector<1x1x1024xf32>
    %get3A_30 = vector.shape_cast %get3A_29 : vector<1x1x1024xf32> to vector<1x1024xf32>
    %add3A_31 = vector.broadcast %get3A_30 : vector<1x1024xf32> to vector<256x1024xf32>
    %add3A_32 = arith.addf %dot_general3A_25, %add3A_31 : vector<256x1024xf32>
    %swap3A = arith.constant 0 : index
    %swap3A_33 = arith.constant 0 : index
    %swap3A_34 = vector.load %arg7[%swap3A, %swap3A_33] : memref<256x1024xf32, #tpu.memory_space<vmem>>, vector<256x1024xf32>
    tpu.vector_store %arg7[%swap3A, %swap3A_33], %add3A_32 {strides = array<i32>} : memref<256x1024xf32, #tpu.memory_space<vmem>>, vector<256x1024xf32>,
    return
  }
  func.func @transform_0(%arg0: i32, %arg1: memref<24xi32, #tpu.memory_space<smem>>) -> (i32, i32) {
    %c0_i32 = arith.constant 0 : i32
    %c0_i32_0 = arith.constant 0 : i32
    return %arg0, %c0_i32 : i32, i32
  }
  func.func @transform_1(%arg0: i32, %arg1: memref<24xi32, #tpu.memory_space<smem>>) -> (i32, i32, i32) {
    %c0_i32 = arith.constant 0 : i32
    %c0_i32_0 = arith.constant 0 : i32
    %c0_i32_1 = arith.constant 0 : i32
    %c0_i32_2 = arith.constant 0 : i32
    return %c0_i32, %c0_i32_0, %c0_i32_1 : i32, i32, i32
  }
  func.func @transform_2(%arg0: i32, %arg1: memref<24xi32, #tpu.memory_space<smem>>) -> (i32, i32, i32) {
    %c0_i32 = arith.constant 0 : i32
    %c0_i32_0 = arith.constant 0 : i32
    %c0_i32_1 = arith.constant 0 : i32
    %c0_i32_2 = arith.constant 0 : i32
    return %c0_i32, %c0_i32_0, %c0_i32_1 : i32, i32, i32
  }
  func.func @transform_3(%arg0: i32, %arg1: memref<24xi32, #tpu.memory_space<smem>>) -> (i32, i32, i32) {
    %c0_i32 = arith.constant 0 : i32
    %c0_i32_0 = arith.constant 0 : i32
    %c0_i32_1 = arith.constant 0 : i32
    %c0_i32_2 = arith.constant 0 : i32
    return %c0_i32, %c0_i32_0, %c0_i32_1 : i32, i32, i32
  }
  func.func @transform_4(%arg0: i32, %arg1: memref<24xi32, #tpu.memory_space<smem>>) -> (i32, i32, i32) {
    %c0_i32 = arith.constant 0 : i32
    %c0_i32_0 = arith.constant 0 : i32
    %c0_i32_1 = arith.constant 0 : i32
    %c0_i32_2 = arith.constant 0 : i32
    return %c0_i32, %c0_i32_0, %c0_i32_1 : i32, i32, i32
  }
  func.func @transform_5(%arg0: i32, %arg1: memref<24xi32, #tpu.memory_space<smem>>) -> (i32, i32) {
    %c0_i32 = arith.constant 0 : i32
    %c0_i32_0 = arith.constant 0 : i32
    return %arg0, %c0_i32 : i32, i32
  }
}

module attributes {stable_mosaic.version = 14 : i64} {
  func.func @_final_body(%arg0: i32, %arg1: memref<2048x256xf32, #tpu.memory_space<vmem>>, %arg2: memref<2048x256xf32, #tpu.memory_space<vmem>>, %arg3: memref<2048x128xf32, #tpu.memory_space<vmem>>, %arg4: memref<2048x256xf32, #tpu.memory_space<vmem>>, %arg5: memref<1x256xf32, #tpu.memory_space<vmem>>, %arg6: memref<1x256xf32, #tpu.memory_space<vmem>>, %arg7: memref<2048x256xf32, #tpu.memory_space<vmem>>) attributes {dimension_semantics = [#tpu.dimension_semantics<arbitrary>], iteration_bounds = array<i64: 4>, scalar_prefetch = 0 : i64, scratch_operands = 0 : i64, tpu.core_type = #tpu.core_type<tc>, window_params = [{transform_indices = @transform_0, window_bounds = array<i64: 2048, 256>}, {transform_indices = @transform_1, window_bounds = array<i64: 2048, 256>}, {pipeline_mode = #tpu.pipeline_mode<synchronous>, transform_indices = @transform_2, window_bounds = array<i64: 2048, 128>}, {transform_indices = @transform_3, window_bounds = array<i64: 2048, 256>}, {transform_indices = @transform_4, window_bounds = array<i64: 1, 256>}, {transform_indices = @transform_5, window_bounds = array<i64: 1, 256>}, {transform_indices = @transform_6, window_bounds = array<i64: 2048, 256>}]} {
    %get3A = arith.constant 0 : index
    %get3A_0 = arith.constant 0 : index
    %get3A_1 = vector.load %arg3[%get3A, %get3A_0] : memref<2048x128xf32, #tpu.memory_space<vmem>>, vector<2048x1xf32>
    %get3A_2 = arith.constant 0 : index
    %get3A_3 = arith.constant 1 : index
    %get3A_4 = vector.load %arg3[%get3A_2, %get3A_3] : memref<2048x128xf32, #tpu.memory_space<vmem>>, vector<2048x1xf32>
    %get3A_5 = arith.constant 0 : index
    %get3A_6 = arith.constant 0 : index
    %get3A_7 = vector.load %arg1[%get3A_5, %get3A_6] : memref<2048x256xf32, #tpu.memory_space<vmem>>, vector<2048x256xf32>
    %mul3A = vector.broadcast %get3A_1 : vector<2048x1xf32> to vector<2048x256xf32>
    %mul3A_8 = arith.mulf %mul3A, %get3A_7 : vector<2048x256xf32>
    %get3A_9 = arith.constant 0 : index
    %get3A_10 = arith.constant 0 : index
    %get3A_11 = vector.load %arg2[%get3A_9, %get3A_10] : memref<2048x256xf32, #tpu.memory_space<vmem>>, vector<2048x256xf32>
    %mul3A_12 = vector.broadcast %get3A_4 : vector<2048x1xf32> to vector<2048x256xf32>
    %mul3A_13 = arith.mulf %mul3A_12, %get3A_11 : vector<2048x256xf32>
    %add3A = arith.addf %mul3A_8, %mul3A_13 : vector<2048x256xf32>
    %get3A_14 = arith.constant 0 : index
    %get3A_15 = arith.constant 0 : index
    %get3A_16 = vector.load %arg4[%get3A_14, %get3A_15] : memref<2048x256xf32, #tpu.memory_space<vmem>>, vector<2048x256xf32>
    %add3A_17 = arith.addf %add3A, %get3A_16 : vector<2048x256xf32>
    %reduce_sum3A = arith.constant dense<0.000000e+00> : vector<256xf32>
    %reduce_sum3A_18 = vector.multi_reduction <add>, %add3A_17, %reduce_sum3A [0] : vector<2048x256xf32> to vector<256xf32>
    %broadcast_in_dim3A = vector.shape_cast %reduce_sum3A_18 : vector<256xf32> to vector<1x256xf32>
    %div3A = arith.constant 2.048000e+03 : f32
    %div3A_19 = vector.broadcast %div3A : f32 to vector<1x256xf32>
    %div3A_20 = arith.divf %broadcast_in_dim3A, %div3A_19 : vector<1x256xf32>
    %sub3A = vector.broadcast %div3A_20 : vector<1x256xf32> to vector<2048x256xf32>
    %sub3A_21 = arith.subf %add3A_17, %sub3A : vector<2048x256xf32>
    %integer_pow3A = arith.mulf %sub3A_21, %sub3A_21 : vector<2048x256xf32>
    %reduce_sum3A_22 = arith.constant dense<0.000000e+00> : vector<256xf32>
    %reduce_sum3A_23 = vector.multi_reduction <add>, %integer_pow3A, %reduce_sum3A_22 [0] : vector<2048x256xf32> to vector<256xf32>
    %broadcast_in_dim3A_24 = vector.shape_cast %reduce_sum3A_23 : vector<256xf32> to vector<1x256xf32>
    %div3A_25 = arith.constant 2.048000e+03 : f32
    %div3A_26 = vector.broadcast %div3A_25 : f32 to vector<1x256xf32>
    %div3A_27 = arith.divf %broadcast_in_dim3A_24, %div3A_26 : vector<1x256xf32>
    %sub3A_28 = vector.broadcast %div3A_20 : vector<1x256xf32> to vector<2048x256xf32>
    %sub3A_29 = arith.subf %add3A_17, %sub3A_28 : vector<2048x256xf32>
    %add3A_30 = arith.constant 9.99999974E-6 : f32
    %add3A_31 = vector.broadcast %add3A_30 : f32 to vector<1x256xf32>
    %add3A_32 = arith.addf %div3A_27, %add3A_31 : vector<1x256xf32>
    %rsqrt3A = math.rsqrt %add3A_32 : vector<1x256xf32>
    %mul3A_33 = vector.broadcast %rsqrt3A : vector<1x256xf32> to vector<2048x256xf32>
    %mul3A_34 = arith.mulf %sub3A_29, %mul3A_33 : vector<2048x256xf32>
    %get3A_35 = arith.constant 0 : index
    %get3A_36 = arith.constant 0 : index
    %get3A_37 = vector.load %arg5[%get3A_35, %get3A_36] : memref<1x256xf32, #tpu.memory_space<vmem>>, vector<1x256xf32>
    %mul3A_38 = vector.broadcast %get3A_37 : vector<1x256xf32> to vector<2048x256xf32>
    %mul3A_39 = arith.mulf %mul3A_34, %mul3A_38 : vector<2048x256xf32>
    %get3A_40 = arith.constant 0 : index
    %get3A_41 = arith.constant 0 : index
    %get3A_42 = vector.load %arg6[%get3A_40, %get3A_41] : memref<1x256xf32, #tpu.memory_space<vmem>>, vector<1x256xf32>
    %add3A_43 = vector.broadcast %get3A_42 : vector<1x256xf32> to vector<2048x256xf32>
    %add3A_44 = arith.addf %mul3A_39, %add3A_43 : vector<2048x256xf32>
    %swap3A = arith.constant 0 : index
    %swap3A_45 = arith.constant 0 : index
    %swap3A_46 = vector.load %arg7[%swap3A, %swap3A_45] : memref<2048x256xf32, #tpu.memory_space<vmem>>, vector<2048x256xf32>
    tpu.vector_store %arg7[%swap3A, %swap3A_45], %add3A_44 {strides = array<i32>} : memref<2048x256xf32, #tpu.memory_space<vmem>>, vector<2048x256xf32>,
    return
  }
  func.func @transform_0(%arg0: i32) -> (i32, i32) {
    %c0_i32 = arith.constant 0 : i32
    %c0_i32_0 = arith.constant 0 : i32
    return %c0_i32, %arg0 : i32, i32
  }
  func.func @transform_1(%arg0: i32) -> (i32, i32) {
    %c0_i32 = arith.constant 0 : i32
    %c0_i32_0 = arith.constant 0 : i32
    return %c0_i32, %arg0 : i32, i32
  }
  func.func @transform_2(%arg0: i32) -> (i32, i32) {
    %c0_i32 = arith.constant 0 : i32
    %c0_i32_0 = arith.constant 0 : i32
    %c0_i32_1 = arith.constant 0 : i32
    return %c0_i32, %c0_i32_0 : i32, i32
  }
  func.func @transform_3(%arg0: i32) -> (i32, i32) {
    %c0_i32 = arith.constant 0 : i32
    %c0_i32_0 = arith.constant 0 : i32
    return %c0_i32, %arg0 : i32, i32
  }
  func.func @transform_4(%arg0: i32) -> (i32, i32) {
    %c0_i32 = arith.constant 0 : i32
    %c0_i32_0 = arith.constant 0 : i32
    return %c0_i32, %arg0 : i32, i32
  }
  func.func @transform_5(%arg0: i32) -> (i32, i32) {
    %c0_i32 = arith.constant 0 : i32
    %c0_i32_0 = arith.constant 0 : i32
    return %c0_i32, %arg0 : i32, i32
  }
  func.func @transform_6(%arg0: i32) -> (i32, i32) {
    %c0_i32 = arith.constant 0 : i32
    %c0_i32_0 = arith.constant 0 : i32
    return %c0_i32, %arg0 : i32, i32
  }
}

</mosaic_0001>

<sc_bundles>
// kernel: kernel.10.cloned.1.call-start
scs
__scs_entry_jumppad:
0x0: {  	(pc) =	sbr.rel $0x88, $3  }
0x1: {  	(tag) =	ssettag $0x0;
	lr =	simm.s32 $0x1  }
0x2: {  	[smem:$0x3F93] =	sst lr;
	_ =	strace $0xD0000000  }
0x3: {  	_ = 	snop  }
0x4: {  	_ = 	snop  }
0x5: {  	_ = 	snop  }
0x6: {  	_ = 	snop  }
0x7: {  	_ = 	snop  }
__scs_overlays_trampoline_lowered:
0x8: {  	[smem:$0x3FA2] =	sst s0  }
0x9: {  	[smem:$0x3FA3] =	sst s1  }
0xa: {  	[smem:$0x3FA4] =	sst s2  }
0xb: {  	[smem:$0x3FA5] =	sst s3  }
0xc: {  	[smem:$0x3FA6] =	sst s4  }
0xd: {  	[smem:$0x3FA7] =	sst s5  }
0xe: {  	[smem:$0x3FA8] =	sst s6  }
0xf: {  	[smem:$0x3FA9] =	sst s7  }
0x10: {  	[smem:$0x3FAA] =	sst s8  }
0x11: {  	[smem:$0x3FAB] =	sst s9;
	s0 =	simm.s32 @!p0 $0x0  }
0x12: {  	s1 =	sld [smem:$0x3F91];
	s0 =	simm.s32 @p0 $0x1  }
0x13: {  	[smem:$0x3FAC] =	sst s0;
	s0 =	simm.s32 @!p1 $0x0  }
0x14: {  	s2 =	sld [smem:$0x3F90];
	s0 =	simm.s32 @p1 $0x1  }
0x15: {  	[smem:$0x3FAD] =	sst s0;
	s0 =	simm.s32 @!p2 $0x0  }
0x16: {  	s3 =	sld [smem:$0x3FDB];
	s0 =	simm.s32 @p2 $0x1  }
0x17: {  	s4 =	simm.s32 $0x1BF5;
	[smem:$0x3FAF] =	sst s0  }
0x18: {  	s0 =	sld [smem:$0x3F92];
	_ =	swait.ge [sflag:s4], $0x0  }
0x19: {  	s7 =	sld [smem:$0x3F93]  }
0x1a: {  	s8 =	sadd.s32 $0xFFFFE003, lr  }
0x1b: {  	s9 =	sadd.s32 $0xFFFFFEF7, lr;
	s5 =	simm.s32 $0xFFFFFFFF;
	p2 =	slt.u32 s8, $0xFFFFF086  }
0x1c: {  	p1 =	slt.u32 s9, $0xF7A;
	s5 =	simm.s32 @!p2 $0x0  }
0x1d: {  	s5 =	simm.s32 @p1 $0x1;
	p0 =	seq.s32 s7, s2  }
0x1e: {  	s7 =	smul.u32 @!p0 $0xF7A, s2;
	p2 =	seq.s32 @!p0 s5, $0x0  }
0x1f: {  	s9 =	smul.u32 $0xF7A, s1;
	s8 =	simm.s32 @!p0 $0x1BF5;
	p2 =	por !p2, p0  }
0x20: {  	[sflag:s8] =	ssyncset.s32 @!p0 $0xFFFFF086;
	s6 =	sadd.s32 @!p0 s3, s7;
	s7 =	simm.s32 @!p0 $0x108  }
0x21: {  	s3 =	sadd.s32 s3, s9;
	s6 =	sadd.s32 @!p0 $0x88, s6;
	s7 =	simm.s32 @p2 $0x1082  }
0x22: {  	[simem:s7], [sflag:s8] =	dma.local @!p0 [hbm:s6], $0xF7A  }
0x23: {  	s9 =	sor.u32 $0xD0000000, s2;
	s6 =	simm.s32 $0x108;
	_ =	swait.ge @!p0 [sflag:s8], $0x0  }
0x24: {  	s3 =	sadd.s32 $0x88, s3;
	s6 =	simm.s32 @!p1 $0x1082;
	[sflag:s4] =	ssyncset.s32 $0xFFFFF086  }
0x25: {  	[simem:s6], [sflag:s4] =	dma.local [hbm:s3], $0xF7A  }
0x26: {  	[smem:$0x3F93] =	sst s1;
	(tag) =	ssettag s2;
	_ =	strace s9  }
0x27: {  	s1 =	sld [smem:$0x3FA3]  }
0x28: {  	s2 =	sld [smem:$0x3FA4]  }
0x29: {  	s4 =	sld [smem:$0x3FA6]  }
0x2a: {  	p0 =	seq.s32 s5, $0x0;
	s5 =	sld [smem:$0x3FA7]  }
0x2b: {  	s6 =	sld [smem:$0x3FA8]  }
0x2c: {  	s7 =	sld [smem:$0x3FA9]  }
0x2d: {  	s3 =	simm.s32 $0x108;
	s8 =	sld [smem:$0x3FAA]  }
0x2e: {  	s3 =	simm.s32 @!p0 $0x1082;
	s9 =	sld [smem:$0x3FAB]  }
0x2f: {  	lr =	sadd.s32 s0, s3;
	s0 =	sld [smem:$0x3FA2]  }
0x30: {  	s3 =	sld [smem:$0x3FA5]  }
0x31: {  	[smem:$0x3FAE] =	sst s10  }
0x32: {  	s10 =	sld [smem:$0x3FAC];
	_ =	sdelay $0x3  }
0x33: {  	p0 =	seq.s32 s10, $0x1;
	s10 =	sld [smem:$0x3FAE];
	_ =	sdelay $0x3  }
0x34: {  	[smem:$0x3FAE] =	sst s10  }
0x35: {  	s10 =	sld [smem:$0x3FAD];
	_ =	sdelay $0x3  }
0x36: {  	p1 =	seq.s32 s10, $0x1;
	s10 =	sld [smem:$0x3FAE];
	_ =	sdelay $0x3  }
0x37: {  	[smem:$0x3FAE] =	sst s10  }
0x38: {  	s10 =	sld [smem:$0x3FAF]  }
0x39: {  	_ = 	snop;
	(pc) =	sbr.ind lr, $3  }
0x3a: {  	_ = 	snop  }
0x3b: {  	_ = 	snop  }
0x3c: {  	p2 =	seq.s32 s10, $0x1;
	s10 =	sld [smem:$0x3FAE]  }
0x3d: {  	_ =	shalt  }
0x3e: {  	_ =	shalt  }
0x3f: {  	_ =	shalt  }
0x40: {  	_ =	shalt  }
0x41: {  	_ =	shalt  }
0x42: {  	_ =	shalt  }
0x43: {  	_ =	shalt  }
0x44: {  	_ =	shalt  }
0x45: {  	_ =	shalt  }
0x46: {  	_ =	shalt  }
0x47: {  	_ =	shalt  }
0x48: {  	_ =	shalt  }
0x49: {  	_ =	shalt  }
0x4a: {  	_ =	shalt  }
0x4b: {  	_ =	shalt  }
0x4c: {  	_ =	shalt  }
0x4d: {  	_ =	shalt  }
0x4e: {  	_ =	shalt  }
0x4f: {  	_ =	shalt  }
0x50: {  	_ =	shalt  }
0x51: {  	_ =	shalt  }
0x52: {  	_ =	shalt  }
0x53: {  	_ =	shalt  }
0x54: {  	_ =	shalt  }
0x55: {  	_ =	shalt  }
0x56: {  	_ =	shalt  }
0x57: {  	_ =	shalt  }
0x58: {  	_ =	shalt  }
0x59: {  	_ =	shalt  }
0x5a: {  	_ =	shalt  }
0x5b: {  	_ =	shalt  }
0x5c: {  	_ =	shalt  }
0x5d: {  	_ =	shalt  }
0x5e: {  	_ =	shalt  }
0x5f: {  	_ =	shalt  }
0x60: {  	_ =	shalt  }
0x61: {  	_ =	shalt  }
0x62: {  	_ =	shalt  }
0x63: {  	_ =	shalt  }
0x64: {  	_ =	shalt  }
0x65: {  	_ =	shalt  }
0x66: {  	_ =	shalt  }
0x67: {  	_ =	shalt  }
0x68: {  	_ =	shalt  }
0x69: {  	_ =	shalt  }
0x6a: {  	_ =	shalt  }
0x6b: {  	_ =	shalt  }
0x6c: {  	_ =	shalt  }
0x6d: {  	_ =	shalt  }
0x6e: {  	_ =	shalt  }
0x6f: {  	_ =	shalt  }
0x70: {  	_ =	shalt  }
0x71: {  	_ =	shalt  }
0x72: {  	_ =	shalt  }
0x73: {  	_ =	shalt  }
0x74: {  	_ =	shalt  }
0x75: {  	_ =	shalt  }
0x76: {  	_ =	shalt  }
0x77: {  	_ =	shalt  }
0x78: {  	_ =	shalt  }
0x79: {  	_ =	shalt  }
0x7a: {  	_ =	shalt  }
0x7b: {  	_ =	shalt  }
0x7c: {  	_ =	shalt  }
0x7d: {  	_ =	shalt  }
0x7e: {  	_ =	shalt  }
0x7f: {  	_ =	shalt  }
0x80: {  	_ =	shalt  }
0x81: {  	_ =	shalt  }
0x82: {  	_ =	shalt  }
0x83: {  	_ =	shalt  }
0x84: {  	_ =	shalt  }
0x85: {  	_ =	shalt  }
0x86: {  	_ =	shalt  }
0x87: {  	_ =	shalt  }
.Lfunc_end0:
.L_simem_size_0:
called_computation_lowered:
.L_overlay_start_0:
0x88: {  	s2 =	sld [smem:$0x3FD9]  }
0x89: {  	s3 =	sld [smem:$0x3FFE];
	_ =	sdelay $0x1  }
0x8a: {  	s1 =	srdreg.scid  }
0x8b: {  	s0 =	sand.u32 $0x1, s1  }
0x8c: {  	s17 =	sshll.u32 s0, $0xA;
	s2 =	sadd.s32 s3, s2  }
0x8d: {  	s2 =	sadd.s32 s2, s17  }
0x8e: {  	[smem:$0x3FBA] =	sst s2  }
0x8f: {  	_ = 	snop  }
0x90: {  	s2 =	sld [smem:$0x3FD0];
	(tm) =	ssettm $0x1  }
0x91: {  	s18 =	sld [smem:$0x3FFB];
	_ =	sdelay $0x3  }
0x92: {  	_ =	strace s18  }
0x93: {  	s3 =	sld [smem:$0x3FFC];
	_ =	sdelay $0x3  }
0x94: {  	_ =	strace s3  }
0x95: {  	s3 =	sld [smem:$0x3FFD];
	_ =	sdelay $0x3  }
0x96: {  	_ =	strace s3  }
0x97: {  	_ =	strace $0x8FFFFFFF  }
0x98: {  	s19 =	sld [smem:$0x3FDB];
	_ =	sdelay $0x1  }
0x99: {  	s4 =	simm.s32 $_scs_section_size  }
0x9a: {  	s5 =	simm.s32 $_size__tile_overlayer_lowered;
	s6 =	simm.s32 $_tile_overlayer_lowered  }
0x9b: {  	s22 =	simm.s32 $0x1BFF;
	s21 =	sshll.u32 s6, $0x1;
	s3 =	sadd.s32 s4, s19  }
0x9c: {  	s7 =	simm.s32 $0x0;
	s20 =	sshll.u32 s5, $0x1;
	s5 =	sadd.s32 s21, s3  }
0x9d: {  	[timem:s7], [sflag:s22] =	dma.local [hbm:s5], s20  }
0x9e: {  	_ =	swait.ge [sflag:s22], s20  }
0x9f: {  	s4 =	ssub.s32 $0x0, s20;
	[sflag:s22] =	ssyncset.done $0x0  }
0xa0: {  	[sflag:s22] =	ssyncadd.s32 s4;
	_ =	sdelay $0x1  }
0xa1: {  	s23 =	simm.s32 $0x1B8B  }
0xa2: {  	_ =	swait.ge [sflag:s23], $0x1  }
0xa3: {  	[sflag:s23] =	ssyncset.done $0x0  }
0xa4: {  	s25 =	simm.s32 $0x1B8E;
	s24 =	sld [smem:$0x3FFE];
	[sflag:s23] =	ssyncadd.s32 $0xFFFFFFFF  }
0xa5: {  	s26 =	simm.s32 $execute0_lowered;
	[smem:$0x3FD2] =	sst s25  }
0xa6: {  	s5 =	sshll.u32 s26, $0x1;
	_ =	strace $0x80000046;
	[dreg:$0x1] =	wrdreg $0xFFFFFFFF  }
0xa7: {  	s28 =	simm.s32 $_size_execute0_lowered;
	s3 =	sadd.s32 s3, s5;
	[dreg:$0x0] =	wrdreg $0x0  }
0xa8: {  	s5 =	sshll.u32 s28, $0x1;
	[dreg:$0x2] =	wrdreg s3  }
0xa9: {  	[dreg:$0x3] =	wrdreg s5  }
0xaa: {  	[dreg:$0x4] =	wrdreg $0xC0  }
0xab: {  	_ =	task [dreg:s7], $0x5FFFF  }
0xac: {  	[dreg:$0x1] =	wrdreg $0xFFFFFFFF  }
0xad: {  	[dreg:$0x0] =	wrdreg $0x60  }
0xae: {  	[dreg:$0x2] =	wrdreg s24  }
0xaf: {  	[dreg:$0x3] =	wrdreg s2  }
0xb0: {  	[dreg:$0x4] =	wrdreg $0x9  }
0xb1: {  	_ =	task.clear_ibuf [dreg:s7], $0x5FFFF;
	_ =	strace $0x90000046  }
0xb2: {  	s29 =	simm.s32 $0x9;
	_ =	strace $0x80000048  }
0xb3: {  	_ =	swait.ge [sflag:s29], $0x1  }
0xb4: {  	[sflag:s29] =	ssyncadd.s32 $0xFFFFFFFF  }
0xb5: {  	_ =	strace $0x90000048  }
0xb6: {  	_ =	sfence  }
0xb7: {  	s30 =	sld [smem:$0x0];
	_ =	sdelay $0x2  }
0xb8: {  	s31 =	sshll.u32 s1, $0xD;
	s1 =	sshrl.u32 s1, $0x2  }
0xb9: {  	s3 =	sand.u32 $0x4000, s31;
	s1 =	sadd.s32 s1, s30  }
0xba: {  	s0 =	sor.u32 s3, s0;
	s1 =	sshll.u32 s1, $0x11  }
0xbb: {  	s0 =	sor.u32 s1, s0  }
0xbc: {  	s0 =	sadd.s32 $0x8F2B, s0  }
0xbd: {  	[sflag:s0] =	ssyncadd.remote.s32 $0x1  }
0xbe: {  	_ =	sfence.sel $0xFFFF  }
0xbf: {  	[dreg:$0x0] =	wrdreg $0xFFFFFFFF;
	(pc) =	sbr.abs _section_cstart, $3  }
0xc0: {  	[dreg:$0x1] =	wrdreg $0xFFFFFFFF  }
0xc1: {  	_ =	task.clear_ibuf [dreg:s7], $0x2FFFF;
	_ =	strace $0x9FFFFFFF  }
0xc2: {  	(tm) =	ssettm $0x7FFFFFFF  }
0xc3: {  	_ =	shalt  }
tec
execute0_lowered:
.L_overlay_start_1:
0x0: {  	(tag) =	ssettag $0x1  }
0x1: {  	s0 =	rddreg [dreg:$0x0];
	s1 =	srdreg.scid  }
0x2: {  	s2 =	stileid.u32;
	s4 =	rddreg [dreg:$0x1]  }
0x3: {  	s9 =	simm.s32 $0x2;
	s19 =	simm.s32 $0x1;
	s21 =	simm.s32 $0x880  }
0x4: {  	s22 =	simm.s32 $0x1080;
	s23 =	simm.s32 $0x1880;
	s24 =	simm.s32 $0x2080  }
0x5: {  	s25 =	simm.s32 $0x2880;
	s28 =	simm.s32 $0x3880;
	s29 =	simm.s32 $0x4080  }
0x6: {  	s30 =	simm.s32 $0x4880;
	s31 =	simm.s32 $0x5080;
	s11 =	simm.s32 $0x7080  }
0x7: {  	s12 =	simm.s32 $0x7880;
	s13 =	simm.s32 $0x8080;
	s14 =	simm.s32 $0x8880  }
0x8: {  	s15 =	simm.s32 $0x9080;
	s16 =	simm.s32 $0x9880;
	s17 =	simm.s32 $0xA080  }
0x9: {  	s18 =	simm.s32 $0xA880;
	s1 =	sand.u32 $0x1, s1;
	s3 =	sshll.u32 s2, $0x1  }
0xa: {  	s10 =	simm.s32 $0xB080;
	s2 =	simm.s32 $0x0;
	s5 =	sor.u32 s1, s3  }
0xb: {  	[smem:$0x7FF] =	sst s2;
	s1 =	ssub.s32 $0x2, s1;
	s3 =	sshll.u32 s5, $0xE  }
0xc: {  	_ =	strace $0x80000047;
	s6 =	sshrl.u32 s1, $0x1;
	s5 =	sshll.u32 s5, $0x5  }
0xd: {  	s3 =	sand.u32 $0x3C000, s3;
	s1 =	ssub.s32 s1, s6;
	s4 =	sadd.s32 s4, s5  }
0xe: {  	s5 =	sadd.s32 $0x42F00, s0;
	s6 =	sadd.s32 $0x43000, s0;
	s8 =	sadd.s32 s3, s0  }
0xf: {  	s3 =	sadd.s32 $0x42E00, s0;
	[dreg:$0x6] =	wrdreg s4;
	s4 =	sadd.s32 $0x10, s4  }
0x10: {  	v2 =	vlaneseq.u32;
	s7 =	sadd.s32 $0x2E00, s8;
	[dreg:$0x4] =	wrdreg s4;
	s26 =	sadd.s32 $0x4E00, s8  }
0x11: {  	vm0 =	vmmov $0xffff;
	v1 =	vshrl.u32 v2, $0x3;
	s8 =	smax.u32 s1, $0x1;
	s1 =	simm.s32 $0x5880;
	[dreg:$0x3] =	wrdreg s7  }
0x12: {  	v0 =	vand.u32 $0x7, v2;
	v2 =	vor.u32 $0x8, v2;
	v1 =	vmul.u32 $0x8, v1;
	s7 =	sadd.s32 $0x43100, s0;
	[dreg:$0x5] =	wrdreg s26;
	s26 =	simm.s32 $0x3080  }
.LBB2_1:
0x13: {  	s20 =	rddreg [dreg:$0x6]  }
0x14: {  	[tilespmem:s2], [sflag:$0x2] =	stream.linear.gather [hbm4b:s20+s2], $0x80, $0x38;
	[tilespmem:$0x10080] =	vst v63  }
0x15: {  	_ =	swait.ge [sflag:s9], $0x80  }
0x16: {  	[sflag:s9] =	ssyncset.done $0x0  }
0x17: {  	s0 =	simm.s32 $0x80;
	s4 =	rddreg [dreg:$0x3];
	[sflag:s9] =	ssyncadd.s32 $0xFFFFFF80  }
0x18: {  	[tilespmem:s0], [sflag:$0x2] =	stream.linear.gather [hbm4b:s4+s2], $0x10000, $0x38;
	[tilespmem:$0x10080] =	vst v63  }
0x19: {  	_ =	swait.ge [sflag:s9], $0x10000  }
0x1a: {  	[sflag:s9] =	ssyncset.done $0x0  }
0x1b: {  	[sflag:s9] =	ssyncadd.s32 $0xFFFF0000  }
0x1c: {  	v3 =	vld [tilespmem:$0x0];
	_ =	sdelay $0x4  }
0x1d: {  	v4 =	vshll.u32 v3, $0x3  }
0x1e: {  	v3 =	vand.u32 $0x7, v3;
	v4 =	vand.u32 $0xFFFFFFC0, v4  }
0x1f: {  	v3 =	vor.u32 v3, v4  }
0x20: {  	v4 =	vperm.xlane v3, v0;
	_ =	sdelay $0x1  }
0x21: {  	v4 =	vadd.s32 v1, v4;
	_ =	sdelay $0x4  }
0x22: {  	[hbm4b:s3+s2] =	stream.indirect_vreg.scatter [tilespmem:s0], [sflag:$0x1], $0x80, v4, vm0, $0xb8;
	[tilespmem:$0x10080] =	vst v63  }
0x23: {  	v3 =	vperm.xlane v3, v2  }
0x24: {  	[hbm4b:s5+s2] =	stream.indirect_vreg.scatter [tilespmem:s21], [sflag:$0x1], $0x80, v4, vm0, $0xb8;
	[tilespmem:$0x10080] =	vst v63  }
0x25: {  	v3 =	vadd.s32 v1, v3  }
0x26: {  	[hbm4b:s6+s2] =	stream.indirect_vreg.scatter [tilespmem:s22], [sflag:$0x1], $0x80, v4, vm0, $0xb8;
	[tilespmem:$0x10080] =	vst v63  }
0x27: {  	_ = 	snop  }
0x28: {  	[hbm4b:s7+s2] =	stream.indirect_vreg.scatter [tilespmem:s23], [sflag:$0x1], $0x80, v4, vm0, $0xb8;
	[tilespmem:$0x10080] =	vst v63  }
0x29: {  	_ = 	snop  }
0x2a: {  	[hbm4b:s3+s2] =	stream.indirect_vreg.scatter [tilespmem:s24], [sflag:$0x1], $0x80, v3, vm0, $0xb8;
	[tilespmem:$0x10080] =	vst v63  }
0x2b: {  	_ = 	snop  }
0x2c: {  	[hbm4b:s5+s2] =	stream.indirect_vreg.scatter [tilespmem:s25], [sflag:$0x1], $0x80, v3, vm0, $0xb8;
	[tilespmem:$0x10080] =	vst v63  }
0x2d: {  	_ = 	snop  }
0x2e: {  	[hbm4b:s6+s2] =	stream.indirect_vreg.scatter [tilespmem:s26], [sflag:$0x1], $0x80, v3, vm0, $0xb8;
	[tilespmem:$0x10080] =	vst v63  }
0x2f: {  	_ = 	snop  }
0x30: {  	[hbm4b:s7+s2] =	stream.indirect_vreg.scatter [tilespmem:s28], [sflag:$0x1], $0x80, v3, vm0, $0xb8;
	[tilespmem:$0x10080] =	vst v63  }
0x31: {  	v3 =	vld [tilespmem:$0x10];
	_ =	sdelay $0x4  }
0x32: {  	v57 =	vshll.u32 v3, $0x3  }
0x33: {  	v3 =	vand.u32 $0x7, v3;
	v4 =	vand.u32 $0xFFFFFFC0, v57  }
0x34: {  	v3 =	vor.u32 v3, v4  }
0x35: {  	v4 =	vperm.xlane v3, v0;
	_ =	sdelay $0x1  }
0x36: {  	v4 =	vadd.s32 v1, v4;
	_ =	sdelay $0x4  }
0x37: {  	[hbm4b:s3+s2] =	stream.indirect_vreg.scatter [tilespmem:s29], [sflag:$0x1], $0x80, v4, vm0, $0xb8;
	[tilespmem:$0x10080] =	vst v63  }
0x38: {  	v3 =	vperm.xlane v3, v2  }
0x39: {  	[hbm4b:s5+s2] =	stream.indirect_vreg.scatter [tilespmem:s30], [sflag:$0x1], $0x80, v4, vm0, $0xb8;
	[tilespmem:$0x10080] =	vst v63  }
0x3a: {  	v3 =	vadd.s32 v1, v3  }
0x3b: {  	[hbm4b:s6+s2] =	stream.indirect_vreg.scatter [tilespmem:s31], [sflag:$0x1], $0x80, v4, vm0, $0xb8;
	[tilespmem:$0x10080] =	vst v63  }
0x3c: {  	_ = 	snop  }
0x3d: {  	[hbm4b:s7+s2] =	stream.indirect_vreg.scatter [tilespmem:s1], [sflag:$0x1], $0x80, v4, vm0, $0xb8;
	[tilespmem:$0x10080] =	vst v63  }
0x3e: {  	s4 =	simm.s32 $0x6080  }
0x3f: {  	[hbm4b:s3+s2] =	stream.indirect_vreg.scatter [tilespmem:s4], [sflag:$0x1], $0x80, v3, vm0, $0xb8;
	[tilespmem:$0x10080] =	vst v63  }
0x40: {  	s4 =	simm.s32 $0x6880  }
0x41: {  	[hbm4b:s5+s2] =	stream.indirect_vreg.scatter [tilespmem:s4], [sflag:$0x1], $0x80, v3, vm0, $0xb8;
	[tilespmem:$0x10080] =	vst v63  }
0x42: {  	_ = 	snop  }
0x43: {  	[hbm4b:s6+s2] =	stream.indirect_vreg.scatter [tilespmem:s11], [sflag:$0x1], $0x80, v3, vm0, $0xb8;
	[tilespmem:$0x10080] =	vst v63  }
0x44: {  	_ = 	snop  }
0x45: {  	[hbm4b:s7+s2] =	stream.indirect_vreg.scatter [tilespmem:s12], [sflag:$0x1], $0x80, v3, vm0, $0xb8;
	[tilespmem:$0x10080] =	vst v63  }
0x46: {  	v3 =	vld [tilespmem:$0x20];
	_ =	sdelay $0x4  }
0x47: {  	v58 =	vshll.u32 v3, $0x3  }
0x48: {  	v3 =	vand.u32 $0x7, v3;
	v4 =	vand.u32 $0xFFFFFFC0, v58  }
0x49: {  	v3 =	vor.u32 v3, v4  }
0x4a: {  	v4 =	vperm.xlane v3, v0;
	_ =	sdelay $0x1  }
0x4b: {  	v4 =	vadd.s32 v1, v4;
	_ =	sdelay $0x4  }
0x4c: {  	[hbm4b:s3+s2] =	stream.indirect_vreg.scatter [tilespmem:s13], [sflag:$0x1], $0x80, v4, vm0, $0xb8;
	[tilespmem:$0x10080] =	vst v63  }
0x4d: {  	v3 =	vperm.xlane v3, v2  }
0x4e: {  	[hbm4b:s5+s2] =	stream.indirect_vreg.scatter [tilespmem:s14], [sflag:$0x1], $0x80, v4, vm0, $0xb8;
	[tilespmem:$0x10080] =	vst v63  }
0x4f: {  	v3 =	vadd.s32 v1, v3  }
0x50: {  	[hbm4b:s6+s2] =	stream.indirect_vreg.scatter [tilespmem:s15], [sflag:$0x1], $0x80, v4, vm0, $0xb8;
	[tilespmem:$0x10080] =	vst v63  }
0x51: {  	_ = 	snop  }
0x52: {  	[hbm4b:s7+s2] =	stream.indirect_vreg.scatter [tilespmem:s16], [sflag:$0x1], $0x80, v4, vm0, $0xb8;
	[tilespmem:$0x10080] =	vst v63  }
0x53: {  	_ = 	snop  }
0x54: {  	[hbm4b:s3+s2] =	stream.indirect_vreg.scatter [tilespmem:s17], [sflag:$0x1], $0x80, v3, vm0, $0xb8;
	[tilespmem:$0x10080] =	vst v63  }
0x55: {  	_ = 	snop  }
0x56: {  	[hbm4b:s5+s2] =	stream.indirect_vreg.scatter [tilespmem:s18], [sflag:$0x1], $0x80, v3, vm0, $0xb8;
	[tilespmem:$0x10080] =	vst v63  }
0x57: {  	_ = 	snop  }
0x58: {  	[hbm4b:s6+s2] =	stream.indirect_vreg.scatter [tilespmem:s10], [sflag:$0x1], $0x80, v3, vm0, $0xb8;
	[tilespmem:$0x10080] =	vst v63  }
0x59: {  	s20 =	simm.s32 $0xB880  }
0x5a: {  	[hbm4b:s7+s2] =	stream.indirect_vreg.scatter [tilespmem:s20], [sflag:$0x1], $0x80, v3, vm0, $0xb8;
	[tilespmem:$0x10080] =	vst v63  }
0x5b: {  	v3 =	vld [tilespmem:$0x30];
	_ =	sdelay $0x4  }
0x5c: {  	v59 =	vshll.u32 v3, $0x3  }
0x5d: {  	v3 =	vand.u32 $0x7, v3;
	v4 =	vand.u32 $0xFFFFFFC0, v59  }
0x5e: {  	v3 =	vor.u32 v3, v4  }
0x5f: {  	v4 =	vperm.xlane v3, v0;
	_ =	sdelay $0x1  }
0x60: {  	v4 =	vadd.s32 v1, v4;
	_ =	sdelay $0x3  }
0x61: {  	s20 =	simm.s32 $0xC080  }
0x62: {  	[hbm4b:s3+s2] =	stream.indirect_vreg.scatter [tilespmem:s20], [sflag:$0x1], $0x80, v4, vm0, $0xb8;
	[tilespmem:$0x10080] =	vst v63  }
0x63: {  	v3 =	vperm.xlane v3, v2;
	s20 =	simm.s32 $0xC880  }
0x64: {  	[hbm4b:s5+s2] =	stream.indirect_vreg.scatter [tilespmem:s20], [sflag:$0x1], $0x80, v4, vm0, $0xb8;
	[tilespmem:$0x10080] =	vst v63  }
0x65: {  	v3 =	vadd.s32 v1, v3;
	s20 =	simm.s32 $0xD080  }
0x66: {  	[hbm4b:s6+s2] =	stream.indirect_vreg.scatter [tilespmem:s20], [sflag:$0x1], $0x80, v4, vm0, $0xb8;
	[tilespmem:$0x10080] =	vst v63  }
0x67: {  	s20 =	simm.s32 $0xD880  }
0x68: {  	[hbm4b:s7+s2] =	stream.indirect_vreg.scatter [tilespmem:s20], [sflag:$0x1], $0x80, v4, vm0, $0xb8;
	[tilespmem:$0x10080] =	vst v63  }
0x69: {  	s20 =	simm.s32 $0xE080  }
0x6a: {  	[hbm4b:s3+s2] =	stream.indirect_vreg.scatter [tilespmem:s20], [sflag:$0x1], $0x80, v3, vm0, $0xb8;
	[tilespmem:$0x10080] =	vst v63  }
0x6b: {  	s20 =	simm.s32 $0xE880  }
0x6c: {  	[hbm4b:s5+s2] =	stream.indirect_vreg.scatter [tilespmem:s20], [sflag:$0x1], $0x80, v3, vm0, $0xb8;
	[tilespmem:$0x10080] =	vst v63  }
0x6d: {  	s20 =	simm.s32 $0xF080  }
0x6e: {  	[hbm4b:s6+s2] =	stream.indirect_vreg.scatter [tilespmem:s20], [sflag:$0x1], $0x80, v3, vm0, $0xb8;
	[tilespmem:$0x10080] =	vst v63  }
0x6f: {  	s20 =	simm.s32 $0xF880  }
0x70: {  	[hbm4b:s7+s2] =	stream.indirect_vreg.scatter [tilespmem:s20], [sflag:$0x1], $0x80, v3, vm0, $0xb8;
	[tilespmem:$0x10080] =	vst v63  }
0x71: {  	_ =	swait.ge [sflag:s19], $0x10000  }
0x72: {  	[sflag:s19] =	ssyncset.done $0x0  }
0x73: {  	s20 =	rddreg [dreg:$0x4];
	[sflag:s19] =	ssyncadd.s32 $0xFFFF0000  }
0x74: {  	[tilespmem:s2], [sflag:$0x2] =	stream.linear.gather [hbm4b:s20+s2], $0x80, $0x38;
	[tilespmem:$0x10080] =	vst v63  }
0x75: {  	_ =	swait.ge [sflag:s9], $0x80  }
0x76: {  	[sflag:s9] =	ssyncset.done $0x0  }
0x77: {  	s20 =	rddreg [dreg:$0x5];
	[sflag:s9] =	ssyncadd.s32 $0xFFFFFF80  }
0x78: {  	[tilespmem:s0], [sflag:$0x2] =	stream.linear.gather [hbm4b:s20+s2], $0x10000, $0x38;
	[tilespmem:$0x10080] =	vst v63  }
0x79: {  	_ =	swait.ge [sflag:s9], $0x10000  }
0x7a: {  	[sflag:s9] =	ssyncset.done $0x0  }
0x7b: {  	[sflag:s9] =	ssyncadd.s32 $0xFFFF0000  }
0x7c: {  	v3 =	vld [tilespmem:$0x0];
	_ =	sdelay $0x4  }
0x7d: {  	v60 =	vshll.u32 v3, $0x3  }
0x7e: {  	v3 =	vand.u32 $0x7, v3;
	v4 =	vand.u32 $0xFFFFFFC0, v60  }
0x7f: {  	v3 =	vor.u32 v3, v4  }
0x80: {  	v4 =	vperm.xlane v3, v0;
	_ =	sdelay $0x1  }
0x81: {  	v4 =	vadd.s32 v1, v4;
	_ =	sdelay $0x4  }
0x82: {  	[hbm4b:s3+s2] =	stream.indirect_vreg.scatter [tilespmem:s0], [sflag:$0x1], $0x80, v4, vm0, $0xb8;
	[tilespmem:$0x10080] =	vst v63  }
0x83: {  	v3 =	vperm.xlane v3, v2  }
0x84: {  	[hbm4b:s5+s2] =	stream.indirect_vreg.scatter [tilespmem:s21], [sflag:$0x1], $0x80, v4, vm0, $0xb8;
	[tilespmem:$0x10080] =	vst v63  }
0x85: {  	v3 =	vadd.s32 v1, v3  }
0x86: {  	[hbm4b:s6+s2] =	stream.indirect_vreg.scatter [tilespmem:s22], [sflag:$0x1], $0x80, v4, vm0, $0xb8;
	[tilespmem:$0x10080] =	vst v63  }
0x87: {  	_ = 	snop  }
0x88: {  	[hbm4b:s7+s2] =	stream.indirect_vreg.scatter [tilespmem:s23], [sflag:$0x1], $0x80, v4, vm0, $0xb8;
	[tilespmem:$0x10080] =	vst v63  }
0x89: {  	_ = 	snop  }
0x8a: {  	[hbm4b:s3+s2] =	stream.indirect_vreg.scatter [tilespmem:s24], [sflag:$0x1], $0x80, v3, vm0, $0xb8;
	[tilespmem:$0x10080] =	vst v63  }
0x8b: {  	_ = 	snop  }
0x8c: {  	[hbm4b:s5+s2] =	stream.indirect_vreg.scatter [tilespmem:s25], [sflag:$0x1], $0x80, v3, vm0, $0xb8;
	[tilespmem:$0x10080] =	vst v63  }
0x8d: {  	_ = 	snop  }
0x8e: {  	[hbm4b:s6+s2] =	stream.indirect_vreg.scatter [tilespmem:s26], [sflag:$0x1], $0x80, v3, vm0, $0xb8;
	[tilespmem:$0x10080] =	vst v63  }
0x8f: {  	_ = 	snop  }
0x90: {  	[hbm4b:s7+s2] =	stream.indirect_vreg.scatter [tilespmem:s28], [sflag:$0x1], $0x80, v3, vm0, $0xb8;
	[tilespmem:$0x10080] =	vst v63  }
0x91: {  	v3 =	vld [tilespmem:$0x10];
	_ =	sdelay $0x4  }
0x92: {  	v61 =	vshll.u32 v3, $0x3  }
0x93: {  	v3 =	vand.u32 $0x7, v3;
	v4 =	vand.u32 $0xFFFFFFC0, v61  }
0x94: {  	v3 =	vor.u32 v3, v4  }
0x95: {  	v4 =	vperm.xlane v3, v0;
	_ =	sdelay $0x1  }
0x96: {  	v4 =	vadd.s32 v1, v4;
	_ =	sdelay $0x4  }
0x97: {  	[hbm4b:s3+s2] =	stream.indirect_vreg.scatter [tilespmem:s29], [sflag:$0x1], $0x80, v4, vm0, $0xb8;
	[tilespmem:$0x10080] =	vst v63  }
0x98: {  	v3 =	vperm.xlane v3, v2  }
0x99: {  	[hbm4b:s5+s2] =	stream.indirect_vreg.scatter [tilespmem:s30], [sflag:$0x1], $0x80, v4, vm0, $0xb8;
	[tilespmem:$0x10080] =	vst v63  }
0x9a: {  	v3 =	vadd.s32 v1, v3  }
0x9b: {  	[hbm4b:s6+s2] =	stream.indirect_vreg.scatter [tilespmem:s31], [sflag:$0x1], $0x80, v4, vm0, $0xb8;
	[tilespmem:$0x10080] =	vst v63  }
0x9c: {  	_ = 	snop  }
0x9d: {  	[hbm4b:s7+s2] =	stream.indirect_vreg.scatter [tilespmem:s1], [sflag:$0x1], $0x80, v4, vm0, $0xb8;
	[tilespmem:$0x10080] =	vst v63  }
0x9e: {  	s20 =	simm.s32 $0x6080  }
0x9f: {  	[hbm4b:s3+s2] =	stream.indirect_vreg.scatter [tilespmem:s20], [sflag:$0x1], $0x80, v3, vm0, $0xb8;
	[tilespmem:$0x10080] =	vst v63  }
0xa0: {  	_ = 	snop  }
0xa1: {  	[hbm4b:s5+s2] =	stream.indirect_vreg.scatter [tilespmem:s4], [sflag:$0x1], $0x80, v3, vm0, $0xb8;
	[tilespmem:$0x10080] =	vst v63  }
0xa2: {  	_ = 	snop  }
0xa3: {  	[hbm4b:s6+s2] =	stream.indirect_vreg.scatter [tilespmem:s11], [sflag:$0x1], $0x80, v3, vm0, $0xb8;
	[tilespmem:$0x10080] =	vst v63  }
0xa4: {  	_ = 	snop  }
0xa5: {  	[hbm4b:s7+s2] =	stream.indirect_vreg.scatter [tilespmem:s12], [sflag:$0x1], $0x80, v3, vm0, $0xb8;
	[tilespmem:$0x10080] =	vst v63  }
0xa6: {  	v3 =	vld [tilespmem:$0x20];
	_ =	sdelay $0x4  }
0xa7: {  	v62 =	vshll.u32 v3, $0x3  }
0xa8: {  	v3 =	vand.u32 $0x7, v3;
	v4 =	vand.u32 $0xFFFFFFC0, v62  }
0xa9: {  	v3 =	vor.u32 v3, v4  }
0xaa: {  	v4 =	vperm.xlane v3, v0;
	_ =	sdelay $0x1  }
0xab: {  	v4 =	vadd.s32 v1, v4;
	_ =	sdelay $0x4  }
0xac: {  	[hbm4b:s3+s2] =	stream.indirect_vreg.scatter [tilespmem:s13], [sflag:$0x1], $0x80, v4, vm0, $0xb8;
	[tilespmem:$0x10080] =	vst v63  }
0xad: {  	v3 =	vperm.xlane v3, v2  }
0xae: {  	[hbm4b:s5+s2] =	stream.indirect_vreg.scatter [tilespmem:s14], [sflag:$0x1], $0x80, v4, vm0, $0xb8;
	[tilespmem:$0x10080] =	vst v63  }
0xaf: {  	v3 =	vadd.s32 v1, v3  }
0xb0: {  	[hbm4b:s6+s2] =	stream.indirect_vreg.scatter [tilespmem:s15], [sflag:$0x1], $0x80, v4, vm0, $0xb8;
	[tilespmem:$0x10080] =	vst v63  }
0xb1: {  	_ = 	snop  }
0xb2: {  	[hbm4b:s7+s2] =	stream.indirect_vreg.scatter [tilespmem:s16], [sflag:$0x1], $0x80, v4, vm0, $0xb8;
	[tilespmem:$0x10080] =	vst v63  }
0xb3: {  	_ = 	snop  }
0xb4: {  	[hbm4b:s3+s2] =	stream.indirect_vreg.scatter [tilespmem:s17], [sflag:$0x1], $0x80, v3, vm0, $0xb8;
	[tilespmem:$0x10080] =	vst v63  }
0xb5: {  	_ = 	snop  }
0xb6: {  	[hbm4b:s5+s2] =	stream.indirect_vreg.scatter [tilespmem:s18], [sflag:$0x1], $0x80, v3, vm0, $0xb8;
	[tilespmem:$0x10080] =	vst v63  }
0xb7: {  	_ = 	snop  }
0xb8: {  	[hbm4b:s6+s2] =	stream.indirect_vreg.scatter [tilespmem:s10], [sflag:$0x1], $0x80, v3, vm0, $0xb8;
	[tilespmem:$0x10080] =	vst v63  }
0xb9: {  	s20 =	simm.s32 $0xB880  }
0xba: {  	[hbm4b:s7+s2] =	stream.indirect_vreg.scatter [tilespmem:s20], [sflag:$0x1], $0x80, v3, vm0, $0xb8;
	[tilespmem:$0x10080] =	vst v63  }
0xbb: {  	v3 =	vld [tilespmem:$0x30];
	_ =	sdelay $0x4  }
0xbc: {  	v63 =	vshll.u32 v3, $0x3  }
0xbd: {  	v3 =	vand.u32 $0x7, v3;
	v4 =	vand.u32 $0xFFFFFFC0, v63  }
0xbe: {  	v3 =	vor.u32 v3, v4  }
0xbf: {  	v4 =	vperm.xlane v3, v0;
	_ =	sdelay $0x1  }
0xc0: {  	v4 =	vadd.s32 v1, v4;
	_ =	sdelay $0x3  }
0xc1: {  	s4 =	simm.s32 $0xC080  }
0xc2: {  	[hbm4b:s3+s2] =	stream.indirect_vreg.scatter [tilespmem:s4], [sflag:$0x1], $0x80, v4, vm0, $0xb8;
	[tilespmem:$0x10080] =	vst v63  }
0xc3: {  	s20 =	simm.s32 $0xC880;
	v3 =	vperm.xlane v3, v2  }
0xc4: {  	[hbm4b:s5+s2] =	stream.indirect_vreg.scatter [tilespmem:s20], [sflag:$0x1], $0x80, v4, vm0, $0xb8;
	[tilespmem:$0x10080] =	vst v63  }
0xc5: {  	v3 =	vadd.s32 v1, v3;
	s4 =	simm.s32 $0xD080  }
0xc6: {  	[hbm4b:s6+s2] =	stream.indirect_vreg.scatter [tilespmem:s4], [sflag:$0x1], $0x80, v4, vm0, $0xb8;
	[tilespmem:$0x10080] =	vst v63  }
0xc7: {  	s20 =	simm.s32 $0xD880  }
0xc8: {  	[hbm4b:s7+s2] =	stream.indirect_vreg.scatter [tilespmem:s20], [sflag:$0x1], $0x80, v4, vm0, $0xb8;
	[tilespmem:$0x10080] =	vst v63  }
0xc9: {  	s4 =	simm.s32 $0xE080  }
0xca: {  	[hbm4b:s3+s2] =	stream.indirect_vreg.scatter [tilespmem:s4], [sflag:$0x1], $0x80, v3, vm0, $0xb8;
	[tilespmem:$0x10080] =	vst v63  }
0xcb: {  	s20 =	simm.s32 $0xE880  }
0xcc: {  	[hbm4b:s5+s2] =	stream.indirect_vreg.scatter [tilespmem:s20], [sflag:$0x1], $0x80, v3, vm0, $0xb8;
	[tilespmem:$0x10080] =	vst v63  }
0xcd: {  	p0 =	sne.s32 s8, $0x1;
	s4 =	simm.s32 $0xF080  }
0xce: {  	[hbm4b:s6+s2] =	stream.indirect_vreg.scatter [tilespmem:s4], [sflag:$0x1], $0x80, v3, vm0, $0xb8;
	[tilespmem:$0x10080] =	vst v63  }
.Ltmp0:
0xcf: {  	s20 =	simm.s32 $0xF880;
	(pc) =	sbr.rel @p0 .LBB2_1-.Ltmp0, $4  }
0xd0: {  	[hbm4b:s7+s2] =	stream.indirect_vreg.scatter [tilespmem:s20], [sflag:$0x1], $0x80, v3, vm0, $0xb8;
	[tilespmem:$0x10080] =	vst v63  }
0xd1: {  	_ =	swait.ge [sflag:s19], $0x10000  }
0xd2: {  	[sflag:s19] =	ssyncset.done $0x0  }
0xd3: {  	s8 =	sadd.s32 $0xFFFFFFFF, s8;
	[sflag:s19] =	ssyncadd.s32 $0xFFFF0000  }
0xd4: {  	_ =	sfence.sel $0x180000  }
0xd5: {  	[bflag:$0x0] =	sbarrier.arrive $0xFFFF  }
0xd6: {  	_ =	strace $0x90000047  }
0xd7: {  	s0 =	stileid.u32;
	[bflag:$0x2] =	sbarrier.arrive $0xFFFF  }
0xd8: {  	p0 =	sne.s32 s0, $0x0;
	s0 =	rddreg [dreg:$0x2]  }
0xd9: {  	s0 =	sadd.s32 @!p0 $0x100000, s0  }
0xda: {  	[sflag:s0] =	ssyncadd.tile.s32 @!p0 $0x1;
	_ =	shalt  }
.Lfunc_end2:
_tile_overlayer_lowered:
.L_overlay_start_2:
0xdb: {  	(tag) =	ssettag $0x2  }
0xdc: {  	s0 =	rddreg [dreg:$0x0];
	s2 =	stileid.u32  }
0xdd: {  	s1 =	rddreg [dreg:$0x1];
	p0 =	sne.s32 s2, $0x0  }
0xde: {  	s3 =	rddreg [dreg:$0x2];
	[bflag:$0x3] =	sbarrier.arrive $0xFFFF;
	s2 =	simm.s32 @!p0 $0x1C02  }
0xdf: {  	[timem:s3], [sflag:s2] =	dma.local @!p0 [hbm:s0], s1  }
0xe0: {  	s0 =	simm.s32 @!p0 $0x2  }
0xe1: {  	_ =	swait.ge @!p0 [sflag:s0], s1  }
0xe2: {  	s1 =	ssub.s32 @!p0 $0x0, s1;
	[sflag:s0] =	ssyncset.done @!p0 $0x0  }
0xe3: {  	[sflag:s0] =	ssyncadd.s32 @!p0 s1  }
0xe4: {  	[bflag:$0x3] =	sbarrier.arrive $0xFFFF  }
0xe5: {  	_ =	shalt  }

// kernel: kernel.13.cloned.1.call-start
scs
__scs_entry_jumppad:
0x0: {  	(pc) =	sbr.rel $0x88, $3  }
0x1: {  	(tag) =	ssettag $0x0;
	lr =	simm.s32 $0x1  }
0x2: {  	[smem:$0x3F93] =	sst lr;
	_ =	strace $0xD0000000  }
0x3: {  	_ = 	snop  }
0x4: {  	_ = 	snop  }
0x5: {  	_ = 	snop  }
0x6: {  	_ = 	snop  }
0x7: {  	_ = 	snop  }
__scs_overlays_trampoline_lowered:
0x8: {  	[smem:$0x3FA2] =	sst s0  }
0x9: {  	[smem:$0x3FA3] =	sst s1  }
0xa: {  	[smem:$0x3FA4] =	sst s2  }
0xb: {  	[smem:$0x3FA5] =	sst s3  }
0xc: {  	[smem:$0x3FA6] =	sst s4  }
0xd: {  	[smem:$0x3FA7] =	sst s5  }
0xe: {  	[smem:$0x3FA8] =	sst s6  }
0xf: {  	[smem:$0x3FA9] =	sst s7  }
0x10: {  	[smem:$0x3FAA] =	sst s8  }
0x11: {  	[smem:$0x3FAB] =	sst s9;
	s0 =	simm.s32 @!p0 $0x0  }
0x12: {  	s1 =	sld [smem:$0x3F91];
	s0 =	simm.s32 @p0 $0x1  }
0x13: {  	[smem:$0x3FAC] =	sst s0;
	s0 =	simm.s32 @!p1 $0x0  }
0x14: {  	s2 =	sld [smem:$0x3F90];
	s0 =	simm.s32 @p1 $0x1  }
0x15: {  	[smem:$0x3FAD] =	sst s0;
	s0 =	simm.s32 @!p2 $0x0  }
0x16: {  	s3 =	sld [smem:$0x3FDB];
	s0 =	simm.s32 @p2 $0x1  }
0x17: {  	s4 =	simm.s32 $0x1BF5;
	[smem:$0x3FAF] =	sst s0  }
0x18: {  	s0 =	sld [smem:$0x3F92];
	_ =	swait.ge [sflag:s4], $0x0  }
0x19: {  	s7 =	sld [smem:$0x3F93]  }
0x1a: {  	s8 =	sadd.s32 $0xFFFFE003, lr  }
0x1b: {  	s9 =	sadd.s32 $0xFFFFFEF7, lr;
	s5 =	simm.s32 $0xFFFFFFFF;
	p2 =	slt.u32 s8, $0xFFFFF086  }
0x1c: {  	p1 =	slt.u32 s9, $0xF7A;
	s5 =	simm.s32 @!p2 $0x0  }
0x1d: {  	s5 =	simm.s32 @p1 $0x1;
	p0 =	seq.s32 s7, s2  }
0x1e: {  	s7 =	smul.u32 @!p0 $0xF7A, s2;
	p2 =	seq.s32 @!p0 s5, $0x0  }
0x1f: {  	s9 =	smul.u32 $0xF7A, s1;
	s8 =	simm.s32 @!p0 $0x1BF5;
	p2 =	por !p2, p0  }
0x20: {  	[sflag:s8] =	ssyncset.s32 @!p0 $0xFFFFF086;
	s6 =	sadd.s32 @!p0 s3, s7;
	s7 =	simm.s32 @!p0 $0x108  }
0x21: {  	s3 =	sadd.s32 s3, s9;
	s6 =	sadd.s32 @!p0 $0x88, s6;
	s7 =	simm.s32 @p2 $0x1082  }
0x22: {  	[simem:s7], [sflag:s8] =	dma.local @!p0 [hbm:s6], $0xF7A  }
0x23: {  	s9 =	sor.u32 $0xD0000000, s2;
	s6 =	simm.s32 $0x108;
	_ =	swait.ge @!p0 [sflag:s8], $0x0  }
0x24: {  	s3 =	sadd.s32 $0x88, s3;
	s6 =	simm.s32 @!p1 $0x1082;
	[sflag:s4] =	ssyncset.s32 $0xFFFFF086  }
0x25: {  	[simem:s6], [sflag:s4] =	dma.local [hbm:s3], $0xF7A  }
0x26: {  	[smem:$0x3F93] =	sst s1;
	(tag) =	ssettag s2;
	_ =	strace s9  }
0x27: {  	s1 =	sld [smem:$0x3FA3]  }
0x28: {  	s2 =	sld [smem:$0x3FA4]  }
0x29: {  	s4 =	sld [smem:$0x3FA6]  }
0x2a: {  	p0 =	seq.s32 s5, $0x0;
	s5 =	sld [smem:$0x3FA7]  }
0x2b: {  	s6 =	sld [smem:$0x3FA8]  }
0x2c: {  	s7 =	sld [smem:$0x3FA9]  }
0x2d: {  	s3 =	simm.s32 $0x108;
	s8 =	sld [smem:$0x3FAA]  }
0x2e: {  	s3 =	simm.s32 @!p0 $0x1082;
	s9 =	sld [smem:$0x3FAB]  }
0x2f: {  	lr =	sadd.s32 s0, s3;
	s0 =	sld [smem:$0x3FA2]  }
0x30: {  	s3 =	sld [smem:$0x3FA5]  }
0x31: {  	[smem:$0x3FAE] =	sst s10  }
0x32: {  	s10 =	sld [smem:$0x3FAC];
	_ =	sdelay $0x3  }
0x33: {  	p0 =	seq.s32 s10, $0x1;
	s10 =	sld [smem:$0x3FAE];
	_ =	sdelay $0x3  }
0x34: {  	[smem:$0x3FAE] =	sst s10  }
0x35: {  	s10 =	sld [smem:$0x3FAD];
	_ =	sdelay $0x3  }
0x36: {  	p1 =	seq.s32 s10, $0x1;
	s10 =	sld [smem:$0x3FAE];
	_ =	sdelay $0x3  }
0x37: {  	[smem:$0x3FAE] =	sst s10  }
0x38: {  	s10 =	sld [smem:$0x3FAF]  }
0x39: {  	_ = 	snop;
	(pc) =	sbr.ind lr, $3  }
0x3a: {  	_ = 	snop  }
0x3b: {  	_ = 	snop  }
0x3c: {  	p2 =	seq.s32 s10, $0x1;
	s10 =	sld [smem:$0x3FAE]  }
0x3d: {  	_ =	shalt  }
0x3e: {  	_ =	shalt  }
0x3f: {  	_ =	shalt  }
0x40: {  	_ =	shalt  }
0x41: {  	_ =	shalt  }
0x42: {  	_ =	shalt  }
0x43: {  	_ =	shalt  }
0x44: {  	_ =	shalt  }
0x45: {  	_ =	shalt  }
0x46: {  	_ =	shalt  }
0x47: {  	_ =	shalt  }
0x48: {  	_ =	shalt  }
0x49: {  	_ =	shalt  }
0x4a: {  	_ =	shalt  }
0x4b: {  	_ =	shalt  }
0x4c: {  	_ =	shalt  }
0x4d: {  	_ =	shalt  }
0x4e: {  	_ =	shalt  }
0x4f: {  	_ =	shalt  }
0x50: {  	_ =	shalt  }
0x51: {  	_ =	shalt  }
0x52: {  	_ =	shalt  }
0x53: {  	_ =	shalt  }
0x54: {  	_ =	shalt  }
0x55: {  	_ =	shalt  }
0x56: {  	_ =	shalt  }
0x57: {  	_ =	shalt  }
0x58: {  	_ =	shalt  }
0x59: {  	_ =	shalt  }
0x5a: {  	_ =	shalt  }
0x5b: {  	_ =	shalt  }
0x5c: {  	_ =	shalt  }
0x5d: {  	_ =	shalt  }
0x5e: {  	_ =	shalt  }
0x5f: {  	_ =	shalt  }
0x60: {  	_ =	shalt  }
0x61: {  	_ =	shalt  }
0x62: {  	_ =	shalt  }
0x63: {  	_ =	shalt  }
0x64: {  	_ =	shalt  }
0x65: {  	_ =	shalt  }
0x66: {  	_ =	shalt  }
0x67: {  	_ =	shalt  }
0x68: {  	_ =	shalt  }
0x69: {  	_ =	shalt  }
0x6a: {  	_ =	shalt  }
0x6b: {  	_ =	shalt  }
0x6c: {  	_ =	shalt  }
0x6d: {  	_ =	shalt  }
0x6e: {  	_ =	shalt  }
0x6f: {  	_ =	shalt  }
0x70: {  	_ =	shalt  }
0x71: {  	_ =	shalt  }
0x72: {  	_ =	shalt  }
0x73: {  	_ =	shalt  }
0x74: {  	_ =	shalt  }
0x75: {  	_ =	shalt  }
0x76: {  	_ =	shalt  }
0x77: {  	_ =	shalt  }
0x78: {  	_ =	shalt  }
0x79: {  	_ =	shalt  }
0x7a: {  	_ =	shalt  }
0x7b: {  	_ =	shalt  }
0x7c: {  	_ =	shalt  }
0x7d: {  	_ =	shalt  }
0x7e: {  	_ =	shalt  }
0x7f: {  	_ =	shalt  }
0x80: {  	_ =	shalt  }
0x81: {  	_ =	shalt  }
0x82: {  	_ =	shalt  }
0x83: {  	_ =	shalt  }
0x84: {  	_ =	shalt  }
0x85: {  	_ =	shalt  }
0x86: {  	_ =	shalt  }
0x87: {  	_ =	shalt  }
.Lfunc_end0:
.L_simem_size_0:
called_computation.1_lowered:
.L_overlay_start_0:
0x88: {  	s2 =	sld [smem:$0x3FD9]  }
0x89: {  	s3 =	sld [smem:$0x3FFE];
	_ =	sdelay $0x1  }
0x8a: {  	s1 =	srdreg.scid  }
0x8b: {  	s0 =	sand.u32 $0x1, s1  }
0x8c: {  	s17 =	sshll.u32 s0, $0xA;
	s2 =	sadd.s32 s3, s2  }
0x8d: {  	s2 =	sadd.s32 s2, s17  }
0x8e: {  	[smem:$0x3FBA] =	sst s2  }
0x8f: {  	_ = 	snop  }
0x90: {  	s2 =	sld [smem:$0x3FD0];
	(tm) =	ssettm $0x1  }
0x91: {  	s18 =	sld [smem:$0x3FFB];
	_ =	sdelay $0x3  }
0x92: {  	_ =	strace s18  }
0x93: {  	s3 =	sld [smem:$0x3FFC];
	_ =	sdelay $0x3  }
0x94: {  	_ =	strace s3  }
0x95: {  	s3 =	sld [smem:$0x3FFD];
	_ =	sdelay $0x3  }
0x96: {  	_ =	strace s3  }
0x97: {  	_ =	strace $0x8FFFFFFF  }
0x98: {  	s19 =	sld [smem:$0x3FDB];
	_ =	sdelay $0x1  }
0x99: {  	s4 =	simm.s32 $_scs_section_size  }
0x9a: {  	s5 =	simm.s32 $_size__tile_overlayer_lowered;
	s6 =	simm.s32 $_tile_overlayer_lowered  }
0x9b: {  	s22 =	simm.s32 $0x1BFF;
	s21 =	sshll.u32 s6, $0x1;
	s3 =	sadd.s32 s4, s19  }
0x9c: {  	s7 =	simm.s32 $0x0;
	s20 =	sshll.u32 s5, $0x1;
	s5 =	sadd.s32 s21, s3  }
0x9d: {  	[timem:s7], [sflag:s22] =	dma.local [hbm:s5], s20  }
0x9e: {  	_ =	swait.ge [sflag:s22], s20  }
0x9f: {  	s4 =	ssub.s32 $0x0, s20;
	[sflag:s22] =	ssyncset.done $0x0  }
0xa0: {  	[sflag:s22] =	ssyncadd.s32 s4;
	_ =	sdelay $0x1  }
0xa1: {  	s23 =	simm.s32 $0x1B8B  }
0xa2: {  	_ =	swait.ge [sflag:s23], $0x1  }
0xa3: {  	[sflag:s23] =	ssyncset.done $0x0  }
0xa4: {  	s25 =	simm.s32 $0x1B8E;
	s24 =	sld [smem:$0x3FFE];
	[sflag:s23] =	ssyncadd.s32 $0xFFFFFFFF  }
0xa5: {  	s26 =	simm.s32 $execute0_lowered;
	[smem:$0x3FD2] =	sst s25  }
0xa6: {  	s5 =	sshll.u32 s26, $0x1;
	_ =	strace $0x80000049;
	[dreg:$0x1] =	wrdreg $0xFFFFFFFF  }
0xa7: {  	s28 =	simm.s32 $_size_execute0_lowered;
	s3 =	sadd.s32 s3, s5;
	[dreg:$0x0] =	wrdreg $0x0  }
0xa8: {  	s5 =	sshll.u32 s28, $0x1;
	[dreg:$0x2] =	wrdreg s3  }
0xa9: {  	[dreg:$0x3] =	wrdreg s5  }
0xaa: {  	[dreg:$0x4] =	wrdreg $0xC0  }
0xab: {  	_ =	task [dreg:s7], $0x5FFFF  }
0xac: {  	[dreg:$0x1] =	wrdreg $0xFFFFFFFF  }
0xad: {  	[dreg:$0x0] =	wrdreg $0x60  }
0xae: {  	[dreg:$0x2] =	wrdreg s24  }
0xaf: {  	[dreg:$0x3] =	wrdreg s2  }
0xb0: {  	[dreg:$0x4] =	wrdreg $0x9  }
0xb1: {  	_ =	task.clear_ibuf [dreg:s7], $0x5FFFF;
	_ =	strace $0x90000049  }
0xb2: {  	s29 =	simm.s32 $0x9;
	_ =	strace $0x8000004B  }
0xb3: {  	_ =	swait.ge [sflag:s29], $0x1  }
0xb4: {  	[sflag:s29] =	ssyncadd.s32 $0xFFFFFFFF  }
0xb5: {  	_ =	strace $0x9000004B  }
0xb6: {  	_ =	sfence  }
0xb7: {  	s30 =	sld [smem:$0x0];
	_ =	sdelay $0x2  }
0xb8: {  	s31 =	sshll.u32 s1, $0xD;
	s1 =	sshrl.u32 s1, $0x2  }
0xb9: {  	s3 =	sand.u32 $0x4000, s31;
	s1 =	sadd.s32 s1, s30  }
0xba: {  	s0 =	sor.u32 s3, s0;
	s1 =	sshll.u32 s1, $0x11  }
0xbb: {  	s0 =	sor.u32 s1, s0  }
0xbc: {  	s0 =	sadd.s32 $0x8F2B, s0  }
0xbd: {  	[sflag:s0] =	ssyncadd.remote.s32 $0x1  }
0xbe: {  	_ =	sfence.sel $0xFFFF  }
0xbf: {  	[dreg:$0x0] =	wrdreg $0xFFFFFFFF;
	(pc) =	sbr.abs _section_cstart, $3  }
0xc0: {  	[dreg:$0x1] =	wrdreg $0xFFFFFFFF  }
0xc1: {  	_ =	task.clear_ibuf [dreg:s7], $0x2FFFF;
	_ =	strace $0x9FFFFFFF  }
0xc2: {  	(tm) =	ssettm $0x7FFFFFFF  }
0xc3: {  	_ =	shalt  }
tec
execute0_lowered:
.L_overlay_start_1:
0x0: {  	(tag) =	ssettag $0x1  }
0x1: {  	s0 =	rddreg [dreg:$0x0]  }
0x2: {  	s1 =	rddreg [dreg:$0x1];
	s2 =	simm.s32 $0x0;
	s3 =	srdreg.scid  }
0x3: {  	s4 =	stileid.u32;
	s19 =	simm.s32 $0x1;
	s21 =	simm.s32 $0x880  }
0x4: {  	s22 =	simm.s32 $0x1080;
	s23 =	simm.s32 $0x1880;
	s28 =	simm.s32 $0x3880  }
0x5: {  	s29 =	simm.s32 $0x4080;
	s30 =	simm.s32 $0x4880;
	s31 =	simm.s32 $0x5080  }
0x6: {  	s11 =	simm.s32 $0x7080;
	s12 =	simm.s32 $0x7880;
	s13 =	simm.s32 $0x8080  }
0x7: {  	s14 =	simm.s32 $0x8880;
	s15 =	simm.s32 $0x9080;
	s16 =	simm.s32 $0x9880  }
0x8: {  	s17 =	simm.s32 $0xA080;
	s18 =	simm.s32 $0xA880;
	s10 =	simm.s32 $0xB080  }
0x9: {  	[smem:$0x7FF] =	sst s2;
	s3 =	sand.u32 $0x1, s3;
	s4 =	sshll.u32 s4, $0x1  }
0xa: {  	_ =	strace $0x8000004A;
	s4 =	sor.u32 s3, s4;
	s5 =	ssub.s32 $0x2, s3  }
0xb: {  	s3 =	sadd.s32 $0x102E00, s0;
	s6 =	sshll.u32 s4, $0xE;
	s7 =	sshrl.u32 s5, $0x1  }
0xc: {  	s4 =	sshll.u32 s4, $0x5;
	s8 =	sadd.s32 s6, s0;
	s9 =	ssub.s32 s5, s7  }
0xd: {  	s4 =	sadd.s32 s1, s4;
	s5 =	sadd.s32 $0x102F00, s0;
	s6 =	sadd.s32 $0x103000, s0  }
0xe: {  	s7 =	sadd.s32 $0x103100, s0;
	s24 =	sadd.s32 $0x42E00, s8;
	[dreg:$0x6] =	wrdreg s4  }
0xf: {  	s0 =	simm.s32 $0x80;
	s25 =	sadd.s32 $0x10, s4;
	[dreg:$0x3] =	wrdreg s24  }
0x10: {  	v2 =	vlaneseq.u32;
	s26 =	sadd.s32 $0x44E00, s8;
	s8 =	smax.u32 s9, $0x1;
	[dreg:$0x4] =	wrdreg s25  }
0x11: {  	vm0 =	vmmov $0xffff;
	v1 =	vshrl.u32 v2, $0x3;
	s9 =	simm.s32 $0x2;
	s4 =	simm.s32 $0x6880;
	[dreg:$0x5] =	wrdreg s26  }
0x12: {  	v0 =	vand.u32 $0x7, v2;
	v2 =	vor.u32 $0x8, v2;
	v1 =	vmul.u32 $0x8, v1;
	s24 =	simm.s32 $0x2080;
	s25 =	simm.s32 $0x2880;
	s26 =	simm.s32 $0x3080  }
.LBB2_1:
0x13: {  	s20 =	rddreg [dreg:$0x6]  }
0x14: {  	[tilespmem:s2], [sflag:$0x2] =	stream.linear.gather [hbm4b:s20+s2], $0x80, $0x38;
	[tilespmem:$0x10080] =	vst v63  }
0x15: {  	_ =	swait.ge [sflag:s9], $0x80  }
0x16: {  	[sflag:s9] =	ssyncset.done $0x0  }
0x17: {  	[sflag:s9] =	ssyncadd.s32 $0xFFFFFF80  }
0x18: {  	v3 =	vld [tilespmem:$0x0];
	_ =	sdelay $0x4  }
0x19: {  	v4 =	vshll.u32 v3, $0x3  }
0x1a: {  	v3 =	vand.u32 $0x7, v3;
	v4 =	vand.u32 $0xFFFFFFC0, v4  }
0x1b: {  	v3 =	vor.u32 v3, v4  }
0x1c: {  	v4 =	vperm.xlane v3, v0;
	_ =	sdelay $0x1  }
0x1d: {  	v4 =	vadd.s32 v1, v4;
	_ =	sdelay $0x4  }
0x1e: {  	[tilespmem:s0], [sflag:$0x1] =	stream.indirect_vreg.gather [hbm4b:s3+s2], $0x80, v4, vm0, $0xb8;
	[tilespmem:$0x10080] =	vst v63  }
0x1f: {  	v3 =	vperm.xlane v3, v2  }
0x20: {  	[tilespmem:s21], [sflag:$0x1] =	stream.indirect_vreg.gather [hbm4b:s5+s2], $0x80, v4, vm0, $0xb8;
	[tilespmem:$0x10080] =	vst v63  }
0x21: {  	v3 =	vadd.s32 v1, v3  }
0x22: {  	[tilespmem:s22], [sflag:$0x1] =	stream.indirect_vreg.gather [hbm4b:s6+s2], $0x80, v4, vm0, $0xb8;
	[tilespmem:$0x10080] =	vst v63  }
0x23: {  	_ = 	snop  }
0x24: {  	[tilespmem:s23], [sflag:$0x1] =	stream.indirect_vreg.gather [hbm4b:s7+s2], $0x80, v4, vm0, $0xb8;
	[tilespmem:$0x10080] =	vst v63  }
0x25: {  	_ = 	snop  }
0x26: {  	[tilespmem:s24], [sflag:$0x1] =	stream.indirect_vreg.gather [hbm4b:s3+s2], $0x80, v3, vm0, $0xb8;
	[tilespmem:$0x10080] =	vst v63  }
0x27: {  	_ = 	snop  }
0x28: {  	[tilespmem:s25], [sflag:$0x1] =	stream.indirect_vreg.gather [hbm4b:s5+s2], $0x80, v3, vm0, $0xb8;
	[tilespmem:$0x10080] =	vst v63  }
0x29: {  	_ = 	snop  }
0x2a: {  	[tilespmem:s26], [sflag:$0x1] =	stream.indirect_vreg.gather [hbm4b:s6+s2], $0x80, v3, vm0, $0xb8;
	[tilespmem:$0x10080] =	vst v63  }
0x2b: {  	_ = 	snop  }
0x2c: {  	[tilespmem:s28], [sflag:$0x1] =	stream.indirect_vreg.gather [hbm4b:s7+s2], $0x80, v3, vm0, $0xb8;
	[tilespmem:$0x10080] =	vst v63  }
0x2d: {  	v3 =	vld [tilespmem:$0x10];
	_ =	sdelay $0x4  }
0x2e: {  	v57 =	vshll.u32 v3, $0x3  }
0x2f: {  	v3 =	vand.u32 $0x7, v3;
	v4 =	vand.u32 $0xFFFFFFC0, v57  }
0x30: {  	v3 =	vor.u32 v3, v4  }
0x31: {  	v4 =	vperm.xlane v3, v0;
	_ =	sdelay $0x1  }
0x32: {  	v4 =	vadd.s32 v1, v4;
	_ =	sdelay $0x4  }
0x33: {  	[tilespmem:s29], [sflag:$0x1] =	stream.indirect_vreg.gather [hbm4b:s3+s2], $0x80, v4, vm0, $0xb8;
	[tilespmem:$0x10080] =	vst v63  }
0x34: {  	v3 =	vperm.xlane v3, v2  }
0x35: {  	[tilespmem:s30], [sflag:$0x1] =	stream.indirect_vreg.gather [hbm4b:s5+s2], $0x80, v4, vm0, $0xb8;
	[tilespmem:$0x10080] =	vst v63  }
0x36: {  	v3 =	vadd.s32 v1, v3  }
0x37: {  	[tilespmem:s31], [sflag:$0x1] =	stream.indirect_vreg.gather [hbm4b:s6+s2], $0x80, v4, vm0, $0xb8;
	[tilespmem:$0x10080] =	vst v63  }
0x38: {  	s1 =	simm.s32 $0x5880  }
0x39: {  	[tilespmem:s1], [sflag:$0x1] =	stream.indirect_vreg.gather [hbm4b:s7+s2], $0x80, v4, vm0, $0xb8;
	[tilespmem:$0x10080] =	vst v63  }
0x3a: {  	s1 =	simm.s32 $0x6080  }
0x3b: {  	[tilespmem:s1], [sflag:$0x1] =	stream.indirect_vreg.gather [hbm4b:s3+s2], $0x80, v3, vm0, $0xb8;
	[tilespmem:$0x10080] =	vst v63  }
0x3c: {  	_ = 	snop  }
0x3d: {  	[tilespmem:s4], [sflag:$0x1] =	stream.indirect_vreg.gather [hbm4b:s5+s2], $0x80, v3, vm0, $0xb8;
	[tilespmem:$0x10080] =	vst v63  }
0x3e: {  	_ = 	snop  }
0x3f: {  	[tilespmem:s11], [sflag:$0x1] =	stream.indirect_vreg.gather [hbm4b:s6+s2], $0x80, v3, vm0, $0xb8;
	[tilespmem:$0x10080] =	vst v63  }
0x40: {  	_ = 	snop  }
0x41: {  	[tilespmem:s12], [sflag:$0x1] =	stream.indirect_vreg.gather [hbm4b:s7+s2], $0x80, v3, vm0, $0xb8;
	[tilespmem:$0x10080] =	vst v63  }
0x42: {  	v3 =	vld [tilespmem:$0x20];
	_ =	sdelay $0x4  }
0x43: {  	v58 =	vshll.u32 v3, $0x3  }
0x44: {  	v3 =	vand.u32 $0x7, v3;
	v4 =	vand.u32 $0xFFFFFFC0, v58  }
0x45: {  	v3 =	vor.u32 v3, v4  }
0x46: {  	v4 =	vperm.xlane v3, v0;
	_ =	sdelay $0x1  }
0x47: {  	v4 =	vadd.s32 v1, v4;
	_ =	sdelay $0x4  }
0x48: {  	[tilespmem:s13], [sflag:$0x1] =	stream.indirect_vreg.gather [hbm4b:s3+s2], $0x80, v4, vm0, $0xb8;
	[tilespmem:$0x10080] =	vst v63  }
0x49: {  	v3 =	vperm.xlane v3, v2  }
0x4a: {  	[tilespmem:s14], [sflag:$0x1] =	stream.indirect_vreg.gather [hbm4b:s5+s2], $0x80, v4, vm0, $0xb8;
	[tilespmem:$0x10080] =	vst v63  }
0x4b: {  	v3 =	vadd.s32 v1, v3  }
0x4c: {  	[tilespmem:s15], [sflag:$0x1] =	stream.indirect_vreg.gather [hbm4b:s6+s2], $0x80, v4, vm0, $0xb8;
	[tilespmem:$0x10080] =	vst v63  }
0x4d: {  	_ = 	snop  }
0x4e: {  	[tilespmem:s16], [sflag:$0x1] =	stream.indirect_vreg.gather [hbm4b:s7+s2], $0x80, v4, vm0, $0xb8;
	[tilespmem:$0x10080] =	vst v63  }
0x4f: {  	_ = 	snop  }
0x50: {  	[tilespmem:s17], [sflag:$0x1] =	stream.indirect_vreg.gather [hbm4b:s3+s2], $0x80, v3, vm0, $0xb8;
	[tilespmem:$0x10080] =	vst v63  }
0x51: {  	_ = 	snop  }
0x52: {  	[tilespmem:s18], [sflag:$0x1] =	stream.indirect_vreg.gather [hbm4b:s5+s2], $0x80, v3, vm0, $0xb8;
	[tilespmem:$0x10080] =	vst v63  }
0x53: {  	_ = 	snop  }
0x54: {  	[tilespmem:s10], [sflag:$0x1] =	stream.indirect_vreg.gather [hbm4b:s6+s2], $0x80, v3, vm0, $0xb8;
	[tilespmem:$0x10080] =	vst v63  }
0x55: {  	s20 =	simm.s32 $0xB880  }
0x56: {  	[tilespmem:s20], [sflag:$0x1] =	stream.indirect_vreg.gather [hbm4b:s7+s2], $0x80, v3, vm0, $0xb8;
	[tilespmem:$0x10080] =	vst v63  }
0x57: {  	v3 =	vld [tilespmem:$0x30];
	_ =	sdelay $0x4  }
0x58: {  	v59 =	vshll.u32 v3, $0x3  }
0x59: {  	v3 =	vand.u32 $0x7, v3;
	v4 =	vand.u32 $0xFFFFFFC0, v59  }
0x5a: {  	v3 =	vor.u32 v3, v4  }
0x5b: {  	v4 =	vperm.xlane v3, v0;
	_ =	sdelay $0x1  }
0x5c: {  	v4 =	vadd.s32 v1, v4;
	_ =	sdelay $0x3  }
0x5d: {  	s20 =	simm.s32 $0xC080  }
0x5e: {  	[tilespmem:s20], [sflag:$0x1] =	stream.indirect_vreg.gather [hbm4b:s3+s2], $0x80, v4, vm0, $0xb8;
	[tilespmem:$0x10080] =	vst v63  }
0x5f: {  	v3 =	vperm.xlane v3, v2;
	s20 =	simm.s32 $0xC880  }
0x60: {  	[tilespmem:s20], [sflag:$0x1] =	stream.indirect_vreg.gather [hbm4b:s5+s2], $0x80, v4, vm0, $0xb8;
	[tilespmem:$0x10080] =	vst v63  }
0x61: {  	v3 =	vadd.s32 v1, v3;
	s20 =	simm.s32 $0xD080  }
0x62: {  	[tilespmem:s20], [sflag:$0x1] =	stream.indirect_vreg.gather [hbm4b:s6+s2], $0x80, v4, vm0, $0xb8;
	[tilespmem:$0x10080] =	vst v63  }
0x63: {  	s20 =	simm.s32 $0xD880  }
0x64: {  	[tilespmem:s20], [sflag:$0x1] =	stream.indirect_vreg.gather [hbm4b:s7+s2], $0x80, v4, vm0, $0xb8;
	[tilespmem:$0x10080] =	vst v63  }
0x65: {  	s20 =	simm.s32 $0xE080  }
0x66: {  	[tilespmem:s20], [sflag:$0x1] =	stream.indirect_vreg.gather [hbm4b:s3+s2], $0x80, v3, vm0, $0xb8;
	[tilespmem:$0x10080] =	vst v63  }
0x67: {  	s20 =	simm.s32 $0xE880  }
0x68: {  	[tilespmem:s20], [sflag:$0x1] =	stream.indirect_vreg.gather [hbm4b:s5+s2], $0x80, v3, vm0, $0xb8;
	[tilespmem:$0x10080] =	vst v63  }
0x69: {  	s20 =	simm.s32 $0xF080  }
0x6a: {  	[tilespmem:s20], [sflag:$0x1] =	stream.indirect_vreg.gather [hbm4b:s6+s2], $0x80, v3, vm0, $0xb8;
	[tilespmem:$0x10080] =	vst v63  }
0x6b: {  	s20 =	simm.s32 $0xF880  }
0x6c: {  	[tilespmem:s20], [sflag:$0x1] =	stream.indirect_vreg.gather [hbm4b:s7+s2], $0x80, v3, vm0, $0xb8;
	[tilespmem:$0x10080] =	vst v63  }
0x6d: {  	_ =	swait.ge [sflag:s19], $0x10000  }
0x6e: {  	[sflag:s19] =	ssyncset.done $0x0  }
0x6f: {  	s20 =	rddreg [dreg:$0x3];
	[sflag:s19] =	ssyncadd.s32 $0xFFFF0000  }
0x70: {  	[hbm4b:s20+s2] =	stream.linear.scatter [tilespmem:s0], [sflag:$0x2], $0x10000, $0x38;
	[tilespmem:$0x10080] =	vst v63  }
0x71: {  	_ =	swait.ge [sflag:s9], $0x10000  }
0x72: {  	[sflag:s9] =	ssyncset.done $0x0  }
0x73: {  	s20 =	rddreg [dreg:$0x4];
	[sflag:s9] =	ssyncadd.s32 $0xFFFF0000  }
0x74: {  	[tilespmem:s2], [sflag:$0x2] =	stream.linear.gather [hbm4b:s20+s2], $0x80, $0x38;
	[tilespmem:$0x10080] =	vst v63  }
0x75: {  	_ =	swait.ge [sflag:s9], $0x80  }
0x76: {  	[sflag:s9] =	ssyncset.done $0x0  }
0x77: {  	[sflag:s9] =	ssyncadd.s32 $0xFFFFFF80  }
0x78: {  	v3 =	vld [tilespmem:$0x0];
	_ =	sdelay $0x4  }
0x79: {  	v60 =	vshll.u32 v3, $0x3  }
0x7a: {  	v3 =	vand.u32 $0x7, v3;
	v4 =	vand.u32 $0xFFFFFFC0, v60  }
0x7b: {  	v3 =	vor.u32 v3, v4  }
0x7c: {  	v4 =	vperm.xlane v3, v0;
	_ =	sdelay $0x1  }
0x7d: {  	v4 =	vadd.s32 v1, v4;
	_ =	sdelay $0x4  }
0x7e: {  	[tilespmem:s0], [sflag:$0x1] =	stream.indirect_vreg.gather [hbm4b:s3+s2], $0x80, v4, vm0, $0xb8;
	[tilespmem:$0x10080] =	vst v63  }
0x7f: {  	v3 =	vperm.xlane v3, v2  }
0x80: {  	[tilespmem:s21], [sflag:$0x1] =	stream.indirect_vreg.gather [hbm4b:s5+s2], $0x80, v4, vm0, $0xb8;
	[tilespmem:$0x10080] =	vst v63  }
0x81: {  	v3 =	vadd.s32 v1, v3  }
0x82: {  	[tilespmem:s22], [sflag:$0x1] =	stream.indirect_vreg.gather [hbm4b:s6+s2], $0x80, v4, vm0, $0xb8;
	[tilespmem:$0x10080] =	vst v63  }
0x83: {  	_ = 	snop  }
0x84: {  	[tilespmem:s23], [sflag:$0x1] =	stream.indirect_vreg.gather [hbm4b:s7+s2], $0x80, v4, vm0, $0xb8;
	[tilespmem:$0x10080] =	vst v63  }
0x85: {  	_ = 	snop  }
0x86: {  	[tilespmem:s24], [sflag:$0x1] =	stream.indirect_vreg.gather [hbm4b:s3+s2], $0x80, v3, vm0, $0xb8;
	[tilespmem:$0x10080] =	vst v63  }
0x87: {  	_ = 	snop  }
0x88: {  	[tilespmem:s25], [sflag:$0x1] =	stream.indirect_vreg.gather [hbm4b:s5+s2], $0x80, v3, vm0, $0xb8;
	[tilespmem:$0x10080] =	vst v63  }
0x89: {  	_ = 	snop  }
0x8a: {  	[tilespmem:s26], [sflag:$0x1] =	stream.indirect_vreg.gather [hbm4b:s6+s2], $0x80, v3, vm0, $0xb8;
	[tilespmem:$0x10080] =	vst v63  }
0x8b: {  	_ = 	snop  }
0x8c: {  	[tilespmem:s28], [sflag:$0x1] =	stream.indirect_vreg.gather [hbm4b:s7+s2], $0x80, v3, vm0, $0xb8;
	[tilespmem:$0x10080] =	vst v63  }
0x8d: {  	v3 =	vld [tilespmem:$0x10];
	_ =	sdelay $0x4  }
0x8e: {  	v61 =	vshll.u32 v3, $0x3  }
0x8f: {  	v3 =	vand.u32 $0x7, v3;
	v4 =	vand.u32 $0xFFFFFFC0, v61  }
0x90: {  	v3 =	vor.u32 v3, v4  }
0x91: {  	v4 =	vperm.xlane v3, v0;
	_ =	sdelay $0x1  }
0x92: {  	v4 =	vadd.s32 v1, v4;
	_ =	sdelay $0x4  }
0x93: {  	[tilespmem:s29], [sflag:$0x1] =	stream.indirect_vreg.gather [hbm4b:s3+s2], $0x80, v4, vm0, $0xb8;
	[tilespmem:$0x10080] =	vst v63  }
0x94: {  	v3 =	vperm.xlane v3, v2  }
0x95: {  	[tilespmem:s30], [sflag:$0x1] =	stream.indirect_vreg.gather [hbm4b:s5+s2], $0x80, v4, vm0, $0xb8;
	[tilespmem:$0x10080] =	vst v63  }
0x96: {  	v3 =	vadd.s32 v1, v3  }
0x97: {  	[tilespmem:s31], [sflag:$0x1] =	stream.indirect_vreg.gather [hbm4b:s6+s2], $0x80, v4, vm0, $0xb8;
	[tilespmem:$0x10080] =	vst v63  }
0x98: {  	s20 =	simm.s32 $0x5880  }
0x99: {  	[tilespmem:s20], [sflag:$0x1] =	stream.indirect_vreg.gather [hbm4b:s7+s2], $0x80, v4, vm0, $0xb8;
	[tilespmem:$0x10080] =	vst v63  }
0x9a: {  	_ = 	snop  }
0x9b: {  	[tilespmem:s1], [sflag:$0x1] =	stream.indirect_vreg.gather [hbm4b:s3+s2], $0x80, v3, vm0, $0xb8;
	[tilespmem:$0x10080] =	vst v63  }
0x9c: {  	_ = 	snop  }
0x9d: {  	[tilespmem:s4], [sflag:$0x1] =	stream.indirect_vreg.gather [hbm4b:s5+s2], $0x80, v3, vm0, $0xb8;
	[tilespmem:$0x10080] =	vst v63  }
0x9e: {  	_ = 	snop  }
0x9f: {  	[tilespmem:s11], [sflag:$0x1] =	stream.indirect_vreg.gather [hbm4b:s6+s2], $0x80, v3, vm0, $0xb8;
	[tilespmem:$0x10080] =	vst v63  }
0xa0: {  	_ = 	snop  }
0xa1: {  	[tilespmem:s12], [sflag:$0x1] =	stream.indirect_vreg.gather [hbm4b:s7+s2], $0x80, v3, vm0, $0xb8;
	[tilespmem:$0x10080] =	vst v63  }
0xa2: {  	v3 =	vld [tilespmem:$0x20];
	_ =	sdelay $0x4  }
0xa3: {  	v62 =	vshll.u32 v3, $0x3  }
0xa4: {  	v3 =	vand.u32 $0x7, v3;
	v4 =	vand.u32 $0xFFFFFFC0, v62  }
0xa5: {  	v3 =	vor.u32 v3, v4  }
0xa6: {  	v4 =	vperm.xlane v3, v0;
	_ =	sdelay $0x1  }
0xa7: {  	v4 =	vadd.s32 v1, v4;
	_ =	sdelay $0x4  }
0xa8: {  	[tilespmem:s13], [sflag:$0x1] =	stream.indirect_vreg.gather [hbm4b:s3+s2], $0x80, v4, vm0, $0xb8;
	[tilespmem:$0x10080] =	vst v63  }
0xa9: {  	v3 =	vperm.xlane v3, v2  }
0xaa: {  	[tilespmem:s14], [sflag:$0x1] =	stream.indirect_vreg.gather [hbm4b:s5+s2], $0x80, v4, vm0, $0xb8;
	[tilespmem:$0x10080] =	vst v63  }
0xab: {  	v3 =	vadd.s32 v1, v3  }
0xac: {  	[tilespmem:s15], [sflag:$0x1] =	stream.indirect_vreg.gather [hbm4b:s6+s2], $0x80, v4, vm0, $0xb8;
	[tilespmem:$0x10080] =	vst v63  }
0xad: {  	_ = 	snop  }
0xae: {  	[tilespmem:s16], [sflag:$0x1] =	stream.indirect_vreg.gather [hbm4b:s7+s2], $0x80, v4, vm0, $0xb8;
	[tilespmem:$0x10080] =	vst v63  }
0xaf: {  	_ = 	snop  }
0xb0: {  	[tilespmem:s17], [sflag:$0x1] =	stream.indirect_vreg.gather [hbm4b:s3+s2], $0x80, v3, vm0, $0xb8;
	[tilespmem:$0x10080] =	vst v63  }
0xb1: {  	_ = 	snop  }
0xb2: {  	[tilespmem:s18], [sflag:$0x1] =	stream.indirect_vreg.gather [hbm4b:s5+s2], $0x80, v3, vm0, $0xb8;
	[tilespmem:$0x10080] =	vst v63  }
0xb3: {  	_ = 	snop  }
0xb4: {  	[tilespmem:s10], [sflag:$0x1] =	stream.indirect_vreg.gather [hbm4b:s6+s2], $0x80, v3, vm0, $0xb8;
	[tilespmem:$0x10080] =	vst v63  }
0xb5: {  	s20 =	simm.s32 $0xB880  }
0xb6: {  	[tilespmem:s20], [sflag:$0x1] =	stream.indirect_vreg.gather [hbm4b:s7+s2], $0x80, v3, vm0, $0xb8;
	[tilespmem:$0x10080] =	vst v63  }
0xb7: {  	v3 =	vld [tilespmem:$0x30];
	_ =	sdelay $0x4  }
0xb8: {  	v63 =	vshll.u32 v3, $0x3  }
0xb9: {  	v3 =	vand.u32 $0x7, v3;
	v4 =	vand.u32 $0xFFFFFFC0, v63  }
0xba: {  	v3 =	vor.u32 v3, v4  }
0xbb: {  	v4 =	vperm.xlane v3, v0;
	_ =	sdelay $0x1  }
0xbc: {  	v4 =	vadd.s32 v1, v4;
	_ =	sdelay $0x3  }
0xbd: {  	s20 =	simm.s32 $0xC080  }
0xbe: {  	[tilespmem:s20], [sflag:$0x1] =	stream.indirect_vreg.gather [hbm4b:s3+s2], $0x80, v4, vm0, $0xb8;
	[tilespmem:$0x10080] =	vst v63  }
0xbf: {  	v3 =	vperm.xlane v3, v2;
	s20 =	simm.s32 $0xC880  }
0xc0: {  	[tilespmem:s20], [sflag:$0x1] =	stream.indirect_vreg.gather [hbm4b:s5+s2], $0x80, v4, vm0, $0xb8;
	[tilespmem:$0x10080] =	vst v63  }
0xc1: {  	v3 =	vadd.s32 v1, v3;
	s20 =	simm.s32 $0xD080  }
0xc2: {  	[tilespmem:s20], [sflag:$0x1] =	stream.indirect_vreg.gather [hbm4b:s6+s2], $0x80, v4, vm0, $0xb8;
	[tilespmem:$0x10080] =	vst v63  }
0xc3: {  	s20 =	simm.s32 $0xD880  }
0xc4: {  	[tilespmem:s20], [sflag:$0x1] =	stream.indirect_vreg.gather [hbm4b:s7+s2], $0x80, v4, vm0, $0xb8;
	[tilespmem:$0x10080] =	vst v63  }
0xc5: {  	s20 =	simm.s32 $0xE080  }
0xc6: {  	[tilespmem:s20], [sflag:$0x1] =	stream.indirect_vreg.gather [hbm4b:s3+s2], $0x80, v3, vm0, $0xb8;
	[tilespmem:$0x10080] =	vst v63  }
0xc7: {  	s20 =	simm.s32 $0xE880  }
0xc8: {  	[tilespmem:s20], [sflag:$0x1] =	stream.indirect_vreg.gather [hbm4b:s5+s2], $0x80, v3, vm0, $0xb8;
	[tilespmem:$0x10080] =	vst v63  }
0xc9: {  	s20 =	simm.s32 $0xF080  }
0xca: {  	[tilespmem:s20], [sflag:$0x1] =	stream.indirect_vreg.gather [hbm4b:s6+s2], $0x80, v3, vm0, $0xb8;
	[tilespmem:$0x10080] =	vst v63  }
0xcb: {  	s20 =	simm.s32 $0xF880  }
0xcc: {  	[tilespmem:s20], [sflag:$0x1] =	stream.indirect_vreg.gather [hbm4b:s7+s2], $0x80, v3, vm0, $0xb8;
	[tilespmem:$0x10080] =	vst v63  }
0xcd: {  	_ =	swait.ge [sflag:s19], $0x10000  }
0xce: {  	p0 =	sne.s32 s8, $0x1;
	[sflag:s19] =	ssyncset.done $0x0  }
.Ltmp0:
0xcf: {  	s1 =	rddreg [dreg:$0x5];
	[sflag:s19] =	ssyncadd.s32 $0xFFFF0000;
	(pc) =	sbr.rel @p0 .LBB2_1-.Ltmp0, $4  }
0xd0: {  	[hbm4b:s1+s2] =	stream.linear.scatter [tilespmem:s0], [sflag:$0x2], $0x10000, $0x38;
	[tilespmem:$0x10080] =	vst v63  }
0xd1: {  	_ =	swait.ge [sflag:s9], $0x10000  }
0xd2: {  	[sflag:s9] =	ssyncset.done $0x0  }
0xd3: {  	s8 =	sadd.s32 $0xFFFFFFFF, s8;
	[sflag:s9] =	ssyncadd.s32 $0xFFFF0000  }
0xd4: {  	_ =	sfence.sel $0x180000  }
0xd5: {  	[bflag:$0x0] =	sbarrier.arrive $0xFFFF  }
0xd6: {  	_ =	strace $0x9000004A  }
0xd7: {  	s0 =	stileid.u32;
	[bflag:$0x2] =	sbarrier.arrive $0xFFFF  }
0xd8: {  	p0 =	sne.s32 s0, $0x0;
	s0 =	rddreg [dreg:$0x2]  }
0xd9: {  	s0 =	sadd.s32 @!p0 $0x100000, s0  }
0xda: {  	[sflag:s0] =	ssyncadd.tile.s32 @!p0 $0x1;
	_ =	shalt  }
.Lfunc_end2:
_tile_overlayer_lowered:
.L_overlay_start_2:
0xdb: {  	(tag) =	ssettag $0x2  }
0xdc: {  	s0 =	rddreg [dreg:$0x0];
	s2 =	stileid.u32  }
0xdd: {  	s1 =	rddreg [dreg:$0x1];
	p0 =	sne.s32 s2, $0x0  }
0xde: {  	s3 =	rddreg [dreg:$0x2];
	[bflag:$0x3] =	sbarrier.arrive $0xFFFF;
	s2 =	simm.s32 @!p0 $0x1C02  }
0xdf: {  	[timem:s3], [sflag:s2] =	dma.local @!p0 [hbm:s0], s1  }
0xe0: {  	s0 =	simm.s32 @!p0 $0x2  }
0xe1: {  	_ =	swait.ge @!p0 [sflag:s0], s1  }
0xe2: {  	s1 =	ssub.s32 @!p0 $0x0, s1;
	[sflag:s0] =	ssyncset.done @!p0 $0x0  }
0xe3: {  	[sflag:s0] =	ssyncadd.s32 @!p0 s1  }
0xe4: {  	[bflag:$0x3] =	sbarrier.arrive $0xFFFF  }
0xe5: {  	_ =	shalt  }

</sc_bundles>
